<compile_context>
chip_gen: v7x
topology: tpu7x:2x2x1
jax: 0.10.2.dev20260603
libtpu: 0.0.44.dev20260713+nightly
codegen_flags: <defaults>
</compile_context>

<pallas_src>
import jax
import jax.numpy as jnp
from jax import lax
from jax.experimental import pallas as pl
from jax.experimental.pallas import tpu as pltpu
from jax.experimental.pallas import tpu_sc as plsc

B = 4
M = 50
SIZES = ((128, 128), (64, 64), (32, 32), (16, 16), (8, 8))
NLOC = tuple(h * w for h, w in SIZES)
NTOT = sum(NLOC)
GPB = NTOT // 16
NG = B * GPB
NWORK = 32
GPT = (NG + NWORK - 1) // NWORK
NGPAD = GPT * NWORK
BIG = 99999999.0
LANE = 16
MPAD = 64
SENT = 62
NLVL = 5
LIMS = ((-1.0, 64.0), (64.0, 128.0), (128.0, 256.0), (256.0, 512.0),
        (512.0, 999999.0))
BANDS = (32, 16, 8, 4, 1)
LPB = sum(BANDS)
GRAN = 4
NSLOT = (M + GRAN - 1) // GRAN
LSTR = 8 + NSLOT * 8 + 8
NLIST = B * LPB * LSTR


def _sc_body(gtb_hbm, jl_hbm, clso_hbm, cnto_hbm, rego_hbm,
             gtb_s, jlist_v, clsv, cntv, regv):
    wid = lax.axis_index("s") * 2 + lax.axis_index("c")
    _sc_impl(wid, gtb_hbm, jl_hbm, clso_hbm, cnto_hbm, rego_hbm,
             gtb_s, jlist_v, clsv, cntv, regv)


def _sc_impl(wid, gtb_hbm, jl_hbm, clso_hbm, cnto_hbm, rego_hbm,
             gtb_s, jlist_v, clsv, cntv, regv):
    pltpu.sync_copy(gtb_hbm, gtb_s)
    pltpu.sync_copy(jl_hbm, jlist_v)
    lane = jnp.arange(LANE, dtype=jnp.int32)
    half = jnp.full((LANE,), 0.5, jnp.float32)
    negone = jnp.full((LANE,), -1.0, jnp.float32)
    bigv = jnp.full((LANE,), BIG, jnp.float32)

    def group_body(gi, carry):
        g = wid * GPT + gi
        b = ((g >= GPB).astype(jnp.int32) + (g >= 2 * GPB).astype(jnp.int32)
             + (g >= 3 * GPB).astype(jnp.int32))
        r = g - b * GPB
        lvl = ((r >= 1024).astype(jnp.int32) + (r >= 1280).astype(jnp.int32)
               + (r >= 1344).astype(jnp.int32) + (r >= 1360).astype(jnp.int32))
        loff = (jnp.where(lvl >= 1, 1024, 0) + jnp.where(lvl >= 2, 256, 0)
                + jnp.where(lvl >= 3, 64, 0) + jnp.where(lvl >= 4, 16, 0))
        loc0 = (r - loff) * LANE
        strd_i = lax.shift_left(8, lvl)
        half_i = lax.shift_left(4, lvl)
        wshift = 7 - lvl
        wmask = lax.shift_right_logical(128, lvl) - 1
        locv = loc0 + lane
        ixv = locv & wmask
        iyv = lax.shift_right_logical(locv, jnp.broadcast_to(wshift, (LANE,)))
        xv = (ixv * strd_i + half_i).astype(jnp.float32)
        yv = (iyv * strd_i + half_i).astype(jnp.float32)
        rad_v = jnp.full((LANE,), strd_i, jnp.int32).astype(jnp.float32)
        rad2_v = rad_v + rad_v
        lo_i = jnp.where(lvl == 0, -1, lax.shift_left(32, lvl))
        hi_i = jnp.where(lvl == 4, 999999, lax.shift_left(64, lvl))
        lo_v = jnp.full((LANE,), lo_i, jnp.int32).astype(jnp.float32)
        hi_v = jnp.full((LANE,), hi_i, jnp.int32).astype(jnp.float32)
        inv_s = jnp.full((LANE,), 1.0, jnp.float32) / rad_v
        btab = b * (MPAD * 8)
        lvloff = (jnp.where(lvl >= 1, 32, 0) + jnp.where(lvl >= 2, 16, 0)
                  + jnp.where(lvl >= 3, 8, 0) + jnp.where(lvl >= 4, 4, 0))
        iy0 = lax.shift_right_logical(loc0, wshift)
        bshift = jnp.where(lvl == 4, 3, 2)
        band = lax.shift_right_logical(iy0, bshift)
        lb = jnp.minimum(b * (LPB * LSTR) + (lvloff + band) * LSTR,
                         NLIST - LSTR)

        def c_body(c, st):
            chunk = jlist_v[pl.ds(lb + 8 + c * 8, LANE)]
            for k in range(GRAN):
                besta, bl, bt, br, bb, bcls, anyp, anyi = st
                v16 = gtb_s[pl.ds(btab + chunk[k] * 8, LANE)]
                x1v = jnp.broadcast_to(v16[0], (LANE,))
                y1v = jnp.broadcast_to(v16[1], (LANE,))
                x2v = jnp.broadcast_to(v16[2], (LANE,))
                y2v = jnp.broadcast_to(v16[3], (LANE,))
                cjv = jnp.broadcast_to(v16[4], (LANE,))
                dl = xv - x1v
                dt = yv - y1v
                dr = x2v - xv
                db = y2v - yv
                omin = jnp.minimum(jnp.minimum(dl, dt), jnp.minimum(dr, db))
                omax = jnp.maximum(jnp.maximum(dl, dt), jnp.maximum(dr, db))
                cxv = (x1v + x2v) * half
                cyv = (y1v + y2v) * half
                cmx = jnp.maximum(jnp.abs(xv - cxv), jnp.abs(yv - cyv))
                e_lo = omax - lo_v
                e_hi = hi_v - omax
                m12 = jnp.minimum(omin, e_lo)
                pos_s = jnp.minimum(m12, rad_v - cmx)
                posm = jnp.where(pos_s > 0.0, e_hi, negone)
                pos = posm >= 0.0
                ign_n = jnp.minimum(jnp.minimum(e_hi, rad2_v - cmx),
                                    cmx - rad_v)
                ign = jnp.where(m12 > 0.0, ign_n, negone) >= 0.0
                area = (dl + dr) * (dt + db)
                cand = jnp.where(pos, area, bigv)
                upd = cand < besta
                besta = jnp.where(upd, cand, besta)
                bl = jnp.where(upd, dl, bl)
                bt = jnp.where(upd, dt, bt)
                br = jnp.where(upd, dr, br)
                bb = jnp.where(upd, db, bb)
                bcls = jnp.where(upd, cjv, bcls)
                one = jnp.full((LANE,), 1.0, jnp.float32)
                anyp = jnp.where(pos, one, anyp)
                anyi = jnp.where(ign, one, anyi)
                st = (besta, bl, bt, br, bb, bcls, anyp, anyi)
            return st

        zf = jnp.zeros((LANE,), jnp.float32)
        init = (jnp.full((LANE,), BIG, jnp.float32), zf, zf, zf, zf,
                zf, zf, zf)
        hdr = jlist_v[pl.ds(lb, LANE)]
        fin = lax.fori_loop(0, hdr[0], c_body, init)
        besta, bl, bt, br, bb, bclsf, anypf, anyif = fin
        bcls = bclsf.astype(jnp.int32)
        anyp = anypf > 0.5
        anyi = anyif > 0.5

        lr_min = jnp.minimum(bl, br)
        lr_max = jnp.maximum(bl, br)
        tb_min = jnp.minimum(bt, bb)
        tb_max = jnp.maximum(bt, bb)
        ratio = (lr_min * tb_min) / (lr_max * tb_max + 1e-10)
        ratio = jnp.where(anyp, ratio, 1.0)
        m = ratio
        rr = jnp.full((LANE,), 1.0, jnp.float32)
        for fac, rfac in ((4.0**16, 2.0**-16), (4.0**8, 2.0**-8),
                          (4.0**4, 2.0**-4), (4.0**2, 2.0**-2), (4.0, 0.5)):
            t = m * fac
            c = t < 1.0
            m = jnp.where(c, t, m)
            rr = jnp.where(c, rr * rfac, rr)
        y = (m + 1.0) * 0.5
        for _ in range(3):
            y = (y + m / y) * 0.5
        cnt = y * rr
        cnt = jnp.where(ratio > 1e-35, cnt, jnp.zeros((LANE,), jnp.float32))
        cnt = jnp.where(anyp, cnt, negone)
        cnt = jnp.where(anyi, negone, cnt)
        cls = jnp.where(anyp, bcls, 0)
        cls = jnp.where(anyi, -1, cls)
        o16 = gi * LANE
        clsv[pl.ds(o16, LANE)] = cls
        cntv[pl.ds(o16, LANE)] = cnt
        regv[pl.ds(o16, LANE)] = jnp.where(anyp, bl * inv_s, negone)
        regv[pl.ds(GPT * LANE + o16, LANE)] = jnp.where(anyp, bt * inv_s,
                                                        negone)
        regv[pl.ds(2 * GPT * LANE + o16, LANE)] = jnp.where(anyp, br * inv_s,
                                                            negone)
        regv[pl.ds(3 * GPT * LANE + o16, LANE)] = jnp.where(anyp, bb * inv_s,
                                                            negone)
        return carry

    lax.fori_loop(0, GPT, group_body, 0)
    pltpu.sync_copy(clsv, clso_hbm.at[pl.ds(wid * (GPT * LANE), GPT * LANE)])
    pltpu.sync_copy(cntv, cnto_hbm.at[pl.ds(wid * (GPT * LANE), GPT * LANE)])
    for c in range(4):
        pltpu.sync_copy(
            regv.at[pl.ds(c * (GPT * LANE), GPT * LANE)],
            rego_hbm.at[pl.ds(c * (NGPAD * LANE) + wid * (GPT * LANE),
                              GPT * LANE)])


def _make_sc_call(interpret=False):
    mesh = plsc.VectorSubcoreMesh(core_axis_name="c", subcore_axis_name="s",
                                  num_cores=2, num_subcores=16)
    return pl.kernel(
        _sc_body,
        out_type=(jax.ShapeDtypeStruct((NGPAD * LANE,), jnp.int32),
                  jax.ShapeDtypeStruct((NGPAD * LANE,), jnp.float32),
                  jax.ShapeDtypeStruct((NGPAD * LANE * 4,), jnp.float32)),
        mesh=mesh,
        scratch_types=[pltpu.VMEM((B * MPAD * 8,), jnp.float32),
                       pltpu.VMEM((NLIST,), jnp.int32),
                       pltpu.VMEM((GPT * LANE,), jnp.int32),
                       pltpu.VMEM((GPT * LANE,), jnp.float32),
                       pltpu.VMEM((GPT * LANE * 4,), jnp.float32)],
        interpret=interpret,
    )


_SC_CALL = _make_sc_call()


def _build_lists(gt_boxes):
    x1, y1, x2, y2 = (gt_boxes[..., i] for i in range(4))
    mx = jnp.maximum(x2 - x1, y2 - y1)
    cy = (y1 + y2) * 0.5
    jar = jnp.arange(M, dtype=jnp.int32)
    ok_lvl = []
    for lvl in range(NLVL):
        s = float(8 << lvl)
        lo, hi = LIMS[lvl]
        nb = BANDS[lvl]
        rpb = (1024 // int(s)) // nb
        size_ok = ((mx > 0.0)
                   & (mx * 0.5 + (2.0 * s - lo + 0.01) > 0.0)
                   & ((hi + 0.01) - mx * 0.5 >= 0.0))
        bandi = jnp.arange(nb, dtype=jnp.float32)
        ymin = bandi * (rpb * s) + (s * 0.5)
        ymax = ymin + (rpb - 1) * s
        ok_lvl.append(
            size_ok[:, None, :]
            & (cy[:, None, :] >= (ymin[None, :, None] - 2.0 * s - 0.01))
            & (cy[:, None, :] <= (ymax[None, :, None] + 2.0 * s + 0.01)))
    ok = jnp.concatenate(ok_lvl, axis=1)
    posi = jnp.cumsum(ok.astype(jnp.int32), axis=-1) - 1
    nj = posi[..., -1] + 1
    w = jnp.where(ok, (posi // GRAN) * 8 + posi % GRAN, -1)
    warr = jnp.arange(NSLOT * 8, dtype=jnp.int32)
    hit = w[..., :, None] == warr[None, None, None, :]
    vals = jnp.sum(hit * jar[None, None, :, None], axis=2)
    ent = jnp.where(jnp.any(hit, axis=2), vals, SENT).astype(jnp.int32)
    ncs = (nj + (GRAN - 1)) // GRAN
    hdr = jnp.concatenate(
        [ncs[..., None], jnp.zeros((B, LPB, 7), jnp.int32)], axis=-1)
    ent = jnp.concatenate(
        [hdr, ent, jnp.full((B, LPB, 8), SENT, jnp.int32)], axis=-1)
    return ent.reshape(-1)


def kernel(cls_logits_0, cls_logits_1, cls_logits_2, cls_logits_3,
           cls_logits_4, reg_preds_0, reg_preds_1, reg_preds_2, reg_preds_3,
           reg_preds_4, gt_boxes, classes):
    rec = jnp.concatenate(
        [gt_boxes.astype(jnp.float32),
         classes.astype(jnp.float32)[..., None],
         jnp.zeros((B, M, 3), jnp.float32)], axis=-1)
    rec = jnp.concatenate([rec, jnp.zeros((B, MPAD - M, 8), jnp.float32)],
                          axis=1)
    jl = _build_lists(gt_boxes.astype(jnp.float32))
    clso, cnto, rego = _SC_CALL(rec.reshape(-1), jl)
    cls_cat = clso[:B * NTOT].reshape(B, NTOT, 1)
    cnt_cat = cnto[:B * NTOT].reshape(B, NTOT, 1)
    reg = rego.reshape(4, NGPAD * LANE)[:, :B * NTOT]
    reg = jnp.transpose(reg.reshape(4, B, NTOT), (1, 2, 0))
    regs = []
    off = 0
    for n in NLOC:
        regs.append(reg[:, off:off + n, :])
        off += n
    return cls_cat, cnt_cat, tuple(regs)

# --- scband reference (transcript-rebuilt; emitter-appended) ---
"""Pipeline reference for scband-gen-targets-13924283973730 (READ-ONLY COPY).

The authoritative reference and input builder live on the scoring server;
editing this copy changes nothing except your own understanding.
"""

import jax, jax.numpy as jnp
import numpy as np

STRIDES = [8, 16, 32, 64, 128]
LIMIT_RANGE = [[-1.0, 64.0], [64.0, 128.0], [128.0, 256.0], [256.0, 512.0], [512.0, 999999.0]]


def _coords_fmap2orig(h, w, stride):
    shifts_x = jnp.arange(0, w * stride, stride, dtype=jnp.float32)
    shifts_y = jnp.arange(0, h * stride, stride, dtype=jnp.float32)
    shift_y, shift_x = jnp.meshgrid(shifts_y, shifts_x, indexing='ij')
    coords = jnp.stack([shift_x.reshape(-1), shift_y.reshape(-1)], axis=-1) + stride // 2
    return coords


def _gen_level_targets(cls_logits, gt_boxes, classes, stride, limit_range, sample_radiu_ratio=1.0):
    h, w = cls_logits.shape[2], cls_logits.shape[3]
    coords = _coords_fmap2orig(h, w, stride)
    x = coords[:, 0]
    y = coords[:, 1]
    l_off = x[None, :, None] - gt_boxes[..., 0][:, None, :]
    t_off = y[None, :, None] - gt_boxes[..., 1][:, None, :]
    r_off = gt_boxes[..., 2][:, None, :] - x[None, :, None]
    b_off = gt_boxes[..., 3][:, None, :] - y[None, :, None]
    ltrb_off = jnp.stack([l_off, t_off, r_off, b_off], axis=-1)
    areas = (ltrb_off[..., 0] + ltrb_off[..., 2]) * (ltrb_off[..., 1] + ltrb_off[..., 3])
    off_min = jnp.min(ltrb_off, axis=-1)
    off_max = jnp.max(ltrb_off, axis=-1)
    mask_in_gtboxes = off_min > 0
    mask_in_level = (off_max > limit_range[0]) & (off_max <= limit_range[1])
    radiu = stride * sample_radiu_ratio
    radiu_max = stride * 2.0
    gt_center_x = (gt_boxes[..., 0] + gt_boxes[..., 2]) / 2
    gt_center_y = (gt_boxes[..., 1] + gt_boxes[..., 3]) / 2
    c_l_off = x[None, :, None] - gt_center_x[:, None, :]
    c_t_off = y[None, :, None] - gt_center_y[:, None, :]
    c_r_off = gt_center_x[:, None, :] - x[None, :, None]
    c_b_off = gt_center_y[:, None, :] - y[None, :, None]
    c_ltrb_off = jnp.stack([c_l_off, c_t_off, c_r_off, c_b_off], axis=-1)
    c_off_max = jnp.max(c_ltrb_off, axis=-1)
    mask_center = c_off_max < radiu
    mask_max = (c_off_max >= radiu) & (c_off_max <= radiu_max)
    mask_pos = mask_in_gtboxes & mask_in_level & mask_center
    mask_ignore = mask_in_gtboxes & mask_in_level & mask_max
    areas = jnp.where(mask_pos, areas, 99999999.0)
    areas_min_ind = jnp.argmin(areas, axis=-1)
    reg_targets = jnp.take_along_axis(ltrb_off, areas_min_ind[:, :, None, None], axis=2)[:, :, 0, :]
    classes_b = jnp.broadcast_to(classes[:, None, :], areas.shape)
    cls_targets = jnp.take_along_axis(classes_b, areas_min_ind[:, :, None], axis=2)
    left_right_min = jnp.minimum(reg_targets[..., 0], reg_targets[..., 2])
    left_right_max = jnp.maximum(reg_targets[..., 0], reg_targets[..., 2])
    top_bottom_min = jnp.minimum(reg_targets[..., 1], reg_targets[..., 3])
    top_bottom_max = jnp.maximum(reg_targets[..., 1], reg_targets[..., 3])
    mask_pos_2 = jnp.sum(mask_pos.astype(jnp.int32), axis=-1) >= 1
    ratio = left_right_min * top_bottom_min / (left_right_max * top_bottom_max + 1e-10)
    ratio_safe = jnp.where(mask_pos_2, ratio, 1.0)
    cnt_targets = jnp.sqrt(ratio_safe)[..., None]
    reg_targets = reg_targets / stride
    cls_targets = jnp.where(mask_pos_2[..., None], cls_targets, 0)
    cnt_targets = jnp.where(mask_pos_2[..., None], cnt_targets, -1.0)
    reg_targets = jnp.where(mask_pos_2[..., None], reg_targets, -1.0)
    mask_ignore_2 = jnp.sum(mask_ignore.astype(jnp.int32), axis=-1) > 0
    cls_targets = jnp.where(mask_ignore_2[..., None], -1, cls_targets)
    cnt_targets = jnp.where(mask_ignore_2[..., None], -1.0, cnt_targets)
    return cls_targets, cnt_targets, reg_targets


def setup_inputs(seed: int = 0) -> dict:
    key = jax.random.key(seed)
    ks = jax.random.split(key, 16)
    B, C, m = 4, 80, 50
    sizes = [(128, 128), (64, 64), (32, 32), (16, 16), (8, 8)]
    inp = {}
    for i, (h, w) in enumerate(sizes):
        inp['cls_logits_%d' % i] = jax.random.normal(ks[i], (B, C, h, w), dtype=jnp.float32)
        inp['reg_preds_%d' % i] = jax.random.normal(ks[5 + i], (B, 4, h, w), dtype=jnp.float32)
    cxy = jax.random.uniform(ks[10], (B, m, 2), minval=0.0, maxval=1024.0, dtype=jnp.float32)
    wh = 2.0 ** jax.random.uniform(ks[11], (B, m, 2), minval=3.0, maxval=9.0, dtype=jnp.float32)
    x1y1 = jnp.clip(cxy - wh / 2, 0.0, 1023.0)
    x2y2 = jnp.clip(cxy + wh / 2, 1.0, 1024.0)
    inp['gt_boxes'] = jnp.concatenate([x1y1, x2y2], axis=-1)
    inp['classes'] = jax.random.randint(ks[12], (B, m), 1, 81, dtype=jnp.int32)
    return inp


def reference(cls_logits_0, cls_logits_1, cls_logits_2, cls_logits_3, cls_logits_4,
              reg_preds_0, reg_preds_1, reg_preds_2, reg_preds_3, reg_preds_4,
              gt_boxes, classes):
    cls_list = [cls_logits_0, cls_logits_1, cls_logits_2, cls_logits_3, cls_logits_4]
    outs = [_gen_level_targets(cls_list[i], gt_boxes, classes, STRIDES[i], LIMIT_RANGE[i])
            for i in range(len(STRIDES))]
    cls_cat = jnp.concatenate([o[0] for o in outs], axis=1)
    cnt_cat = jnp.concatenate([o[1] for o in outs], axis=1)
    reg_all = tuple(o[2] for o in outs)
    return (cls_cat, cnt_cat, reg_all)

if __name__ == "__main__":
    import jax
    _d = setup_inputs()
    print(jax.jit(kernel)(*tuple(_d.values())))

</pallas_src>

<mosaic_0001>
#map = affine_map<(d0, d1) -> (0)>
module attributes {stable_mosaic.version = 14 : i64} {
  func.func @_sc_body(%arg0: i32, %arg1: i32, %arg2: memref<2048xf32, #tpu.memory_space<hbm>>, %arg3: memref<29280xi32, #tpu.memory_space<hbm>>, %arg4: memref<87552xi32, #tpu.memory_space<hbm>>, %arg5: memref<87552xf32, #tpu.memory_space<hbm>>, %arg6: memref<350208xf32, #tpu.memory_space<hbm>>, %arg7: memref<2048xf32, #tpu.memory_space<vmem>>, %arg8: memref<29280xi32, #tpu.memory_space<vmem>>, %arg9: memref<2736xi32, #tpu.memory_space<vmem>>, %arg10: memref<2736xf32, #tpu.memory_space<vmem>>, %arg11: memref<10944xf32, #tpu.memory_space<vmem>>) attributes {dimension_semantics = [#tpu.dimension_semantics<core_parallel>, #tpu.dimension_semantics<subcore_parallel>], iteration_bounds = array<i64: 2, 16>, scalar_prefetch = 0 : i64, scratch_operands = 5 : i64, tpu.core_type = #tpu.core_type<sc_vector_subcore>, window_params = [{transform_indices = #map}, {transform_indices = #map}, {transform_indices = #map}, {transform_indices = #map}, {transform_indices = #map}]} {
    %mul3A = arith.constant 2 : i32
    %mul3A_0 = arith.muli %arg1, %mul3A : i32
    %add3A = arith.addi %mul3A_0, %arg0 : i32
    "tpu.region"() ({
      %run_scoped3A = tpu.sem_alloc : memref<!tpu.dma_semaphore, #tpu.memory_space<semaphore_mem>>
      tpu.enqueue_dma source(%arg2 : memref<2048xf32, #tpu.memory_space<hbm>>) target(%arg7 : memref<2048xf32, #tpu.memory_space<vmem>>) target_semaphore(%run_scoped3A : memref<!tpu.dma_semaphore, #tpu.memory_space<semaphore_mem>>)
      tpu.wait_dma2 semaphore(%run_scoped3A : memref<!tpu.dma_semaphore, #tpu.memory_space<semaphore_mem>>) src(%arg2 : memref<2048xf32, #tpu.memory_space<hbm>>) dst(%arg7 : memref<2048xf32, #tpu.memory_space<vmem>>)
      tpu.yield
    }) : () -> ()
    "tpu.region"() ({
      %run_scoped3A = tpu.sem_alloc : memref<!tpu.dma_semaphore, #tpu.memory_space<semaphore_mem>>
      tpu.enqueue_dma source(%arg3 : memref<29280xi32, #tpu.memory_space<hbm>>) target(%arg8 : memref<29280xi32, #tpu.memory_space<vmem>>) target_semaphore(%run_scoped3A : memref<!tpu.dma_semaphore, #tpu.memory_space<semaphore_mem>>)
      tpu.wait_dma2 semaphore(%run_scoped3A : memref<!tpu.dma_semaphore, #tpu.memory_space<semaphore_mem>>) src(%arg3 : memref<29280xi32, #tpu.memory_space<hbm>>) dst(%arg8 : memref<29280xi32, #tpu.memory_space<vmem>>)
      tpu.yield
    }) : () -> ()
    %iota3A = tpu.iota {dimensions = array<i32: 0>} : vector<16xi32>
    %broadcast_in_dim3A = arith.constant 5.000000e-01 : f32
    %broadcast_in_dim3A_1 = vector.broadcast %broadcast_in_dim3A : f32 to vector<16xf32>
    %broadcast_in_dim3A_2 = arith.constant -1.000000e+00 : f32
    %broadcast_in_dim3A_3 = vector.broadcast %broadcast_in_dim3A_2 : f32 to vector<16xf32>
    %broadcast_in_dim3A_4 = arith.constant 1.000000e+08 : f32
    %broadcast_in_dim3A_5 = vector.broadcast %broadcast_in_dim3A_4 : f32 to vector<16xf32>
    %scan3A = arith.constant 0 : i32
    %scan3A_6 = arith.constant 0 : i32
    %scan3A_7 = arith.constant 171 : i32
    %scan3A_8 = arith.addi %scan3A_6, %scan3A_7 : i32
    %scan3A_9 = arith.constant 1 : i32
    scf.for %scan3A_31 = %scan3A_6 to %scan3A_8 step %scan3A_9  : i32 {
      %mul3A_32 = arith.constant 171 : i32
      %mul3A_33 = arith.muli %add3A, %mul3A_32 : i32
      %add3A_34 = arith.addi %mul3A_33, %scan3A_31 : i32
      %ge3A = arith.constant 1364 : i32
      %ge3A_35 = arith.cmpi sge, %add3A_34, %ge3A : i32
      %convert_element_type3A = arith.extui %ge3A_35 : i1 to i32
      %ge3A_36 = arith.constant 2728 : i32
      %ge3A_37 = arith.cmpi sge, %add3A_34, %ge3A_36 : i32
      %convert_element_type3A_38 = arith.extui %ge3A_37 : i1 to i32
      %add3A_39 = arith.addi %convert_element_type3A, %convert_element_type3A_38 : i32
      %ge3A_40 = arith.constant 4092 : i32
      %ge3A_41 = arith.cmpi sge, %add3A_34, %ge3A_40 : i32
      %convert_element_type3A_42 = arith.extui %ge3A_41 : i1 to i32
      %add3A_43 = arith.addi %add3A_39, %convert_element_type3A_42 : i32
      %mul3A_44 = arith.constant 1364 : i32
      %mul3A_45 = arith.muli %add3A_43, %mul3A_44 : i32
      %sub3A = arith.subi %add3A_34, %mul3A_45 : i32
      %ge3A_46 = arith.constant 1024 : i32
      %ge3A_47 = arith.cmpi sge, %sub3A, %ge3A_46 : i32
      %convert_element_type3A_48 = arith.extui %ge3A_47 : i1 to i32
      %ge3A_49 = arith.constant 1280 : i32
      %ge3A_50 = arith.cmpi sge, %sub3A, %ge3A_49 : i32
      %convert_element_type3A_51 = arith.extui %ge3A_50 : i1 to i32
      %add3A_52 = arith.addi %convert_element_type3A_48, %convert_element_type3A_51 : i32
      %ge3A_53 = arith.constant 1344 : i32
      %ge3A_54 = arith.cmpi sge, %sub3A, %ge3A_53 : i32
      %convert_element_type3A_55 = arith.extui %ge3A_54 : i1 to i32
      %add3A_56 = arith.addi %add3A_52, %convert_element_type3A_55 : i32
      %ge3A_57 = arith.constant 1360 : i32
      %ge3A_58 = arith.cmpi sge, %sub3A, %ge3A_57 : i32
      %convert_element_type3A_59 = arith.extui %ge3A_58 : i1 to i32
      %add3A_60 = arith.addi %add3A_56, %convert_element_type3A_59 : i32
      %ge3A_61 = arith.constant 1 : i32
      %ge3A_62 = arith.cmpi sge, %add3A_60, %ge3A_61 : i32
      %jit3A = arith.constant 1024 : i32
      %jit3A_63 = arith.constant 0 : i32
      %select_n3A = arith.select %ge3A_62, %jit3A, %jit3A_63 : i32
      %ge3A_64 = arith.constant 2 : i32
      %ge3A_65 = arith.cmpi sge, %add3A_60, %ge3A_64 : i32
      %jit3A_66 = arith.constant 256 : i32
      %jit3A_67 = arith.constant 0 : i32
      %select_n3A_68 = arith.select %ge3A_65, %jit3A_66, %jit3A_67 : i32
      %add3A_69 = arith.addi %select_n3A, %select_n3A_68 : i32
      %ge3A_70 = arith.constant 3 : i32
      %ge3A_71 = arith.cmpi sge, %add3A_60, %ge3A_70 : i32
      %jit3A_72 = arith.constant 64 : i32
      %jit3A_73 = arith.constant 0 : i32
      %select_n3A_74 = arith.select %ge3A_71, %jit3A_72, %jit3A_73 : i32
      %add3A_75 = arith.addi %add3A_69, %select_n3A_74 : i32
      %ge3A_76 = arith.constant 4 : i32
      %ge3A_77 = arith.cmpi sge, %add3A_60, %ge3A_76 : i32
      %jit3A_78 = arith.constant 16 : i32
      %jit3A_79 = arith.constant 0 : i32
      %select_n3A_80 = arith.select %ge3A_77, %jit3A_78, %jit3A_79 : i32
      %add3A_81 = arith.addi %add3A_75, %select_n3A_80 : i32
      %sub3A_82 = arith.subi %sub3A, %add3A_81 : i32
      %mul3A_83 = arith.constant 16 : i32
      %mul3A_84 = arith.muli %sub3A_82, %mul3A_83 : i32
      %shift_left3A = arith.constant 8 : i32
      %shift_left3A_85 = arith.shli %shift_left3A, %add3A_60 : i32
      %shift_left3A_86 = arith.constant 4 : i32
      %shift_left3A_87 = arith.shli %shift_left3A_86, %add3A_60 : i32
      %sub3A_88 = arith.constant 7 : i32
      %sub3A_89 = arith.subi %sub3A_88, %add3A_60 : i32
      %shift_right_logical3A = arith.constant 128 : i32
      %shift_right_logical3A_90 = arith.shrui %shift_right_logical3A, %add3A_60 : i32
      %sub3A_91 = arith.constant 1 : i32
      %sub3A_92 = arith.subi %shift_right_logical3A_90, %sub3A_91 : i32
      %add3A_93 = vector.broadcast %mul3A_84 : i32 to vector<16xi32>
      %add3A_94 = arith.addi %add3A_93, %iota3A : vector<16xi32>
      %and3A = vector.broadcast %sub3A_92 : i32 to vector<16xi32>
      %and3A_95 = arith.andi %add3A_94, %and3A : vector<16xi32>
      %broadcast_in_dim3A_96 = vector.broadcast %sub3A_89 : i32 to vector<16xi32>
      %shift_right_logical3A_97 = arith.shrui %add3A_94, %broadcast_in_dim3A_96 : vector<16xi32>
      %mul3A_98 = vector.broadcast %shift_left3A_85 : i32 to vector<16xi32>
      %mul3A_99 = arith.muli %and3A_95, %mul3A_98 : vector<16xi32>
      %add3A_100 = vector.broadcast %shift_left3A_87 : i32 to vector<16xi32>
      %add3A_101 = arith.addi %mul3A_99, %add3A_100 : vector<16xi32>
      %convert_element_type3A_102 = arith.sitofp %add3A_101 : vector<16xi32> to vector<16xf32>
      %mul3A_103 = vector.broadcast %shift_left3A_85 : i32 to vector<16xi32>
      %mul3A_104 = arith.muli %shift_right_logical3A_97, %mul3A_103 : vector<16xi32>
      %add3A_105 = vector.broadcast %shift_left3A_87 : i32 to vector<16xi32>
      %add3A_106 = arith.addi %mul3A_104, %add3A_105 : vector<16xi32>
      %convert_element_type3A_107 = arith.sitofp %add3A_106 : vector<16xi32> to vector<16xf32>
      %broadcast_in_dim3A_108 = vector.broadcast %shift_left3A_85 : i32 to vector<16xi32>
      %convert_element_type3A_109 = arith.sitofp %broadcast_in_dim3A_108 : vector<16xi32> to vector<16xf32>
      %add3A_110 = arith.addf %convert_element_type3A_109, %convert_element_type3A_109 : vector<16xf32>
      %eq3A = arith.constant 0 : i32
      %eq3A_111 = arith.cmpi eq, %add3A_60, %eq3A : i32
      %shift_left3A_112 = arith.constant 32 : i32
      %shift_left3A_113 = arith.shli %shift_left3A_112, %add3A_60 : i32
      %jit3A_114 = arith.constant -1 : i32
      %select_n3A_115 = arith.select %eq3A_111, %jit3A_114, %shift_left3A_113 : i32
      %eq3A_116 = arith.constant 4 : i32
      %eq3A_117 = arith.cmpi eq, %add3A_60, %eq3A_116 : i32
      %shift_left3A_118 = arith.constant 64 : i32
      %shift_left3A_119 = arith.shli %shift_left3A_118, %add3A_60 : i32
      %jit3A_120 = arith.constant 999999 : i32
      %select_n3A_121 = arith.select %eq3A_117, %jit3A_120, %shift_left3A_119 : i32
      %broadcast_in_dim3A_122 = vector.broadcast %select_n3A_115 : i32 to vector<16xi32>
      %convert_element_type3A_123 = arith.sitofp %broadcast_in_dim3A_122 : vector<16xi32> to vector<16xf32>
      %broadcast_in_dim3A_124 = vector.broadcast %select_n3A_121 : i32 to vector<16xi32>
      %convert_element_type3A_125 = arith.sitofp %broadcast_in_dim3A_124 : vector<16xi32> to vector<16xf32>
      %broadcast_in_dim3A_126 = arith.constant 1.000000e+00 : f32
      %broadcast_in_dim3A_127 = vector.broadcast %broadcast_in_dim3A_126 : f32 to vector<16xf32>
      %div3A = arith.divf %broadcast_in_dim3A_127, %convert_element_type3A_109 : vector<16xf32>
      %mul3A_128 = arith.constant 512 : i32
      %mul3A_129 = arith.muli %add3A_43, %mul3A_128 : i32
      %ge3A_130 = arith.constant 1 : i32
      %ge3A_131 = arith.cmpi sge, %add3A_60, %ge3A_130 : i32
      %jit3A_132 = arith.constant 32 : i32
      %jit3A_133 = arith.constant 0 : i32
      %select_n3A_134 = arith.select %ge3A_131, %jit3A_132, %jit3A_133 : i32
      %ge3A_135 = arith.constant 2 : i32
      %ge3A_136 = arith.cmpi sge, %add3A_60, %ge3A_135 : i32
      %jit3A_137 = arith.constant 16 : i32
      %jit3A_138 = arith.constant 0 : i32
      %select_n3A_139 = arith.select %ge3A_136, %jit3A_137, %jit3A_138 : i32
      %add3A_140 = arith.addi %select_n3A_134, %select_n3A_139 : i32
      %ge3A_141 = arith.constant 3 : i32
      %ge3A_142 = arith.cmpi sge, %add3A_60, %ge3A_141 : i32
      %jit3A_143 = arith.constant 8 : i32
      %jit3A_144 = arith.constant 0 : i32
      %select_n3A_145 = arith.select %ge3A_142, %jit3A_143, %jit3A_144 : i32
      %add3A_146 = arith.addi %add3A_140, %select_n3A_145 : i32
      %ge3A_147 = arith.constant 4 : i32
      %ge3A_148 = arith.cmpi sge, %add3A_60, %ge3A_147 : i32
      %jit3A_149 = arith.constant 4 : i32
      %jit3A_150 = arith.constant 0 : i32
      %select_n3A_151 = arith.select %ge3A_148, %jit3A_149, %jit3A_150 : i32
      %add3A_152 = arith.addi %add3A_146, %select_n3A_151 : i32
      %shift_right_logical3A_153 = arith.shrui %mul3A_84, %sub3A_89 : i32
      %eq3A_154 = arith.constant 4 : i32
      %eq3A_155 = arith.cmpi eq, %add3A_60, %eq3A_154 : i32
      %jit3A_156 = arith.constant 3 : i32
      %jit3A_157 = arith.constant 2 : i32
      %select_n3A_158 = arith.select %eq3A_155, %jit3A_156, %jit3A_157 : i32
      %shift_right_logical3A_159 = arith.shrui %shift_right_logical3A_153, %select_n3A_158 : i32
      %mul3A_160 = arith.constant 7320 : i32
      %mul3A_161 = arith.muli %add3A_43, %mul3A_160 : i32
      %add3A_162 = arith.addi %add3A_152, %shift_right_logical3A_159 : i32
      %mul3A_163 = arith.constant 120 : i32
      %mul3A_164 = arith.muli %add3A_162, %mul3A_163 : i32
      %add3A_165 = arith.addi %mul3A_161, %mul3A_164 : i32
      %min3A = arith.constant 29160 : i32
      %min3A_166 = arith.minsi %add3A_165, %min3A : i32
      %broadcast_in_dim3A_167 = arith.constant 0.000000e+00 : f32
      %broadcast_in_dim3A_168 = vector.broadcast %broadcast_in_dim3A_167 : f32 to vector<16xf32>
      %broadcast_in_dim3A_169 = arith.constant 1.000000e+08 : f32
      %broadcast_in_dim3A_170 = vector.broadcast %broadcast_in_dim3A_169 : f32 to vector<16xf32>
      %get3A = arith.index_cast %min3A_166 : i32 to index
      %get3A_171 = tpu.vector_load %arg8[%get3A] {strides = array<i32>} : memref<29280xi32, #tpu.memory_space<vmem>>, vector<16xi32>,
      %get3A_172 = vector.shape_cast %get3A_171 : vector<16xi32> to vector<16xi32>
      %slice3A = vector.extract_strided_slice %get3A_172 {offsets = [0], sizes = [1], strides = [1]} : vector<16xi32> to vector<1xi32>
      %squeeze3A = vector.extract %slice3A[0] : i32 from vector<1xi32>
      %while3A = arith.constant 0 : i32
      %while3A_173 = arith.subi %squeeze3A, %while3A : i32
      %while3A_174 = arith.addi %while3A, %while3A_173 : i32
      %while3A_175 = arith.constant 1 : i32
      %while3A_176 = arith.divsi %while3A_173, %while3A_175 : i32
      %while3A_177 = arith.muli %while3A_176, %while3A_175 : i32
      %while3A_178 = arith.addi %while3A, %while3A_177 : i32
      %while3A_179 = arith.constant 1 : i32
      %while3A_180:8 = scf.for %while3A_332 = %while3A to %while3A_178 step %while3A_179 iter_args(%while3A_333 = %broadcast_in_dim3A_170, %while3A_334 = %broadcast_in_dim3A_168, %while3A_335 = %broadcast_in_dim3A_168, %while3A_336 = %broadcast_in_dim3A_168, %while3A_337 = %broadcast_in_dim3A_168, %while3A_338 = %broadcast_in_dim3A_168, %while3A_339 = %broadcast_in_dim3A_168, %while3A_340 = %broadcast_in_dim3A_168) -> (vector<16xf32>, vector<16xf32>, vector<16xf32>, vector<16xf32>, vector<16xf32>, vector<16xf32>, vector<16xf32>, vector<16xf32>)  : i32 {
        %add3A_341 = arith.constant 8 : i32
        %add3A_342 = arith.addi %min3A_166, %add3A_341 : i32
        %mul3A_343 = arith.constant 8 : i32
        %mul3A_344 = arith.muli %while3A_332, %mul3A_343 : i32
        %add3A_345 = arith.addi %add3A_342, %mul3A_344 : i32
        %get3A_346 = arith.index_cast %add3A_345 : i32 to index
        %get3A_347 = tpu.vector_load %arg8[%get3A_346] {strides = array<i32>} : memref<29280xi32, #tpu.memory_space<vmem>>, vector<16xi32>,
        %get3A_348 = vector.shape_cast %get3A_347 : vector<16xi32> to vector<16xi32>
        %slice3A_349 = vector.extract_strided_slice %get3A_348 {offsets = [0], sizes = [1], strides = [1]} : vector<16xi32> to vector<1xi32>
        %squeeze3A_350 = vector.extract %slice3A_349[0] : i32 from vector<1xi32>
        %mul3A_351 = arith.constant 8 : i32
        %mul3A_352 = arith.muli %squeeze3A_350, %mul3A_351 : i32
        %add3A_353 = arith.addi %mul3A_129, %mul3A_352 : i32
        %get3A_354 = arith.index_cast %add3A_353 : i32 to index
        %get3A_355 = tpu.vector_load %arg7[%get3A_354] {strides = array<i32>} : memref<2048xf32, #tpu.memory_space<vmem>>, vector<16xf32>,
        %get3A_356 = vector.shape_cast %get3A_355 : vector<16xf32> to vector<16xf32>
        %slice3A_357 = vector.extract_strided_slice %get3A_356 {offsets = [0], sizes = [1], strides = [1]} : vector<16xf32> to vector<1xf32>
        %squeeze3A_358 = vector.extract %slice3A_357[0] : f32 from vector<1xf32>
        %broadcast_in_dim3A_359 = vector.broadcast %squeeze3A_358 : f32 to vector<16xf32>
        %slice3A_360 = vector.extract_strided_slice %get3A_356 {offsets = [1], sizes = [1], strides = [1]} : vector<16xf32> to vector<1xf32>
        %squeeze3A_361 = vector.extract %slice3A_360[0] : f32 from vector<1xf32>
        %broadcast_in_dim3A_362 = vector.broadcast %squeeze3A_361 : f32 to vector<16xf32>
        %slice3A_363 = vector.extract_strided_slice %get3A_356 {offsets = [2], sizes = [1], strides = [1]} : vector<16xf32> to vector<1xf32>
        %squeeze3A_364 = vector.extract %slice3A_363[0] : f32 from vector<1xf32>
        %broadcast_in_dim3A_365 = vector.broadcast %squeeze3A_364 : f32 to vector<16xf32>
        %slice3A_366 = vector.extract_strided_slice %get3A_356 {offsets = [3], sizes = [1], strides = [1]} : vector<16xf32> to vector<1xf32>
        %squeeze3A_367 = vector.extract %slice3A_366[0] : f32 from vector<1xf32>
        %broadcast_in_dim3A_368 = vector.broadcast %squeeze3A_367 : f32 to vector<16xf32>
        %slice3A_369 = vector.extract_strided_slice %get3A_356 {offsets = [4], sizes = [1], strides = [1]} : vector<16xf32> to vector<1xf32>
        %squeeze3A_370 = vector.extract %slice3A_369[0] : f32 from vector<1xf32>
        %broadcast_in_dim3A_371 = vector.broadcast %squeeze3A_370 : f32 to vector<16xf32>
        %sub3A_372 = arith.subf %convert_element_type3A_102, %broadcast_in_dim3A_359 : vector<16xf32>
        %sub3A_373 = arith.subf %convert_element_type3A_107, %broadcast_in_dim3A_362 : vector<16xf32>
        %sub3A_374 = arith.subf %broadcast_in_dim3A_365, %convert_element_type3A_102 : vector<16xf32>
        %sub3A_375 = arith.subf %broadcast_in_dim3A_368, %convert_element_type3A_107 : vector<16xf32>
        %min3A_376 = arith.minimumf %sub3A_372, %sub3A_373 : vector<16xf32>
        %min3A_377 = arith.minimumf %sub3A_374, %sub3A_375 : vector<16xf32>
        %min3A_378 = arith.minimumf %min3A_376, %min3A_377 : vector<16xf32>
        %max3A_379 = arith.maximumf %sub3A_372, %sub3A_373 : vector<16xf32>
        %max3A_380 = arith.maximumf %sub3A_374, %sub3A_375 : vector<16xf32>
        %max3A_381 = arith.maximumf %max3A_379, %max3A_380 : vector<16xf32>
        %add3A_382 = arith.addf %broadcast_in_dim3A_359, %broadcast_in_dim3A_365 : vector<16xf32>
        %mul3A_383 = arith.mulf %add3A_382, %broadcast_in_dim3A_1 : vector<16xf32>
        %add3A_384 = arith.addf %broadcast_in_dim3A_362, %broadcast_in_dim3A_368 : vector<16xf32>
        %mul3A_385 = arith.mulf %add3A_384, %broadcast_in_dim3A_1 : vector<16xf32>
        %sub3A_386 = arith.subf %convert_element_type3A_102, %mul3A_383 : vector<16xf32>
        %abs3A = math.absf %sub3A_386 : vector<16xf32>
        %sub3A_387 = arith.subf %convert_element_type3A_107, %mul3A_385 : vector<16xf32>
        %abs3A_388 = math.absf %sub3A_387 : vector<16xf32>
        %max3A_389 = arith.maximumf %abs3A, %abs3A_388 : vector<16xf32>
        %sub3A_390 = arith.subf %max3A_381, %convert_element_type3A_123 : vector<16xf32>
        %sub3A_391 = arith.subf %convert_element_type3A_125, %max3A_381 : vector<16xf32>
        %min3A_392 = arith.minimumf %min3A_378, %sub3A_390 : vector<16xf32>
        %sub3A_393 = arith.subf %convert_element_type3A_109, %max3A_389 : vector<16xf32>
        %min3A_394 = arith.minimumf %min3A_392, %sub3A_393 : vector<16xf32>
        %gt3A_395 = arith.constant 0.000000e+00 : f32
        %gt3A_396 = vector.broadcast %gt3A_395 : f32 to vector<16xf32>
        %gt3A_397 = arith.cmpf ogt, %min3A_394, %gt3A_396 : vector<16xf32>
        %select_n3A_398 = arith.select %gt3A_397, %sub3A_391, %broadcast_in_dim3A_3 : vector<16xi1>, vector<16xf32>
        %ge3A_399 = arith.constant 0.000000e+00 : f32
        %ge3A_400 = vector.broadcast %ge3A_399 : f32 to vector<16xf32>
        %ge3A_401 = arith.cmpf oge, %select_n3A_398, %ge3A_400 : vector<16xf32>
        %sub3A_402 = arith.subf %add3A_110, %max3A_389 : vector<16xf32>
        %min3A_403 = arith.minimumf %sub3A_391, %sub3A_402 : vector<16xf32>
        %sub3A_404 = arith.subf %max3A_389, %convert_element_type3A_109 : vector<16xf32>
        %min3A_405 = arith.minimumf %min3A_403, %sub3A_404 : vector<16xf32>
        %gt3A_406 = arith.constant 0.000000e+00 : f32
        %gt3A_407 = vector.broadcast %gt3A_406 : f32 to vector<16xf32>
        %gt3A_408 = arith.cmpf ogt, %min3A_392, %gt3A_407 : vector<16xf32>
        %select_n3A_409 = arith.select %gt3A_408, %min3A_405, %broadcast_in_dim3A_3 : vector<16xi1>, vector<16xf32>
        %ge3A_410 = arith.constant 0.000000e+00 : f32
        %ge3A_411 = vector.broadcast %ge3A_410 : f32 to vector<16xf32>
        %ge3A_412 = arith.cmpf oge, %select_n3A_409, %ge3A_411 : vector<16xf32>
        %add3A_413 = arith.addf %sub3A_372, %sub3A_374 : vector<16xf32>
        %add3A_414 = arith.addf %sub3A_373, %sub3A_375 : vector<16xf32>
        %mul3A_415 = arith.mulf %add3A_413, %add3A_414 : vector<16xf32>
        %select_n3A_416 = arith.select %ge3A_401, %mul3A_415, %broadcast_in_dim3A_5 : vector<16xi1>, vector<16xf32>
        %lt3A_417 = arith.cmpf olt, %select_n3A_416, %while3A_333 : vector<16xf32>
        %select_n3A_418 = arith.select %lt3A_417, %select_n3A_416, %while3A_333 : vector<16xi1>, vector<16xf32>
        %select_n3A_419 = arith.select %lt3A_417, %sub3A_372, %while3A_334 : vector<16xi1>, vector<16xf32>
        %select_n3A_420 = arith.select %lt3A_417, %sub3A_373, %while3A_335 : vector<16xi1>, vector<16xf32>
        %select_n3A_421 = arith.select %lt3A_417, %sub3A_374, %while3A_336 : vector<16xi1>, vector<16xf32>
        %select_n3A_422 = arith.select %lt3A_417, %sub3A_375, %while3A_337 : vector<16xi1>, vector<16xf32>
        %select_n3A_423 = arith.select %lt3A_417, %broadcast_in_dim3A_371, %while3A_338 : vector<16xi1>, vector<16xf32>
        %broadcast_in_dim3A_424 = arith.constant 1.000000e+00 : f32
        %broadcast_in_dim3A_425 = vector.broadcast %broadcast_in_dim3A_424 : f32 to vector<16xf32>
        %select_n3A_426 = arith.select %ge3A_401, %broadcast_in_dim3A_425, %while3A_339 : vector<16xi1>, vector<16xf32>
        %select_n3A_427 = arith.select %ge3A_412, %broadcast_in_dim3A_425, %while3A_340 : vector<16xi1>, vector<16xf32>
        %slice3A_428 = vector.extract_strided_slice %get3A_348 {offsets = [1], sizes = [1], strides = [1]} : vector<16xi32> to vector<1xi32>
        %squeeze3A_429 = vector.extract %slice3A_428[0] : i32 from vector<1xi32>
        %mul3A_430 = arith.constant 8 : i32
        %mul3A_431 = arith.muli %squeeze3A_429, %mul3A_430 : i32
        %add3A_432 = arith.addi %mul3A_129, %mul3A_431 : i32
        %get3A_433 = arith.index_cast %add3A_432 : i32 to index
        %get3A_434 = tpu.vector_load %arg7[%get3A_433] {strides = array<i32>} : memref<2048xf32, #tpu.memory_space<vmem>>, vector<16xf32>,
        %get3A_435 = vector.shape_cast %get3A_434 : vector<16xf32> to vector<16xf32>
        %slice3A_436 = vector.extract_strided_slice %get3A_435 {offsets = [0], sizes = [1], strides = [1]} : vector<16xf32> to vector<1xf32>
        %squeeze3A_437 = vector.extract %slice3A_436[0] : f32 from vector<1xf32>
        %broadcast_in_dim3A_438 = vector.broadcast %squeeze3A_437 : f32 to vector<16xf32>
        %slice3A_439 = vector.extract_strided_slice %get3A_435 {offsets = [1], sizes = [1], strides = [1]} : vector<16xf32> to vector<1xf32>
        %squeeze3A_440 = vector.extract %slice3A_439[0] : f32 from vector<1xf32>
        %broadcast_in_dim3A_441 = vector.broadcast %squeeze3A_440 : f32 to vector<16xf32>
        %slice3A_442 = vector.extract_strided_slice %get3A_435 {offsets = [2], sizes = [1], strides = [1]} : vector<16xf32> to vector<1xf32>
        %squeeze3A_443 = vector.extract %slice3A_442[0] : f32 from vector<1xf32>
        %broadcast_in_dim3A_444 = vector.broadcast %squeeze3A_443 : f32 to vector<16xf32>
        %slice3A_445 = vector.extract_strided_slice %get3A_435 {offsets = [3], sizes = [1], strides = [1]} : vector<16xf32> to vector<1xf32>
        %squeeze3A_446 = vector.extract %slice3A_445[0] : f32 from vector<1xf32>
        %broadcast_in_dim3A_447 = vector.broadcast %squeeze3A_446 : f32 to vector<16xf32>
        %slice3A_448 = vector.extract_strided_slice %get3A_435 {offsets = [4], sizes = [1], strides = [1]} : vector<16xf32> to vector<1xf32>
        %squeeze3A_449 = vector.extract %slice3A_448[0] : f32 from vector<1xf32>
        %broadcast_in_dim3A_450 = vector.broadcast %squeeze3A_449 : f32 to vector<16xf32>
        %sub3A_451 = arith.subf %convert_element_type3A_102, %broadcast_in_dim3A_438 : vector<16xf32>
        %sub3A_452 = arith.subf %convert_element_type3A_107, %broadcast_in_dim3A_441 : vector<16xf32>
        %sub3A_453 = arith.subf %broadcast_in_dim3A_444, %convert_element_type3A_102 : vector<16xf32>
        %sub3A_454 = arith.subf %broadcast_in_dim3A_447, %convert_element_type3A_107 : vector<16xf32>
        %min3A_455 = arith.minimumf %sub3A_451, %sub3A_452 : vector<16xf32>
        %min3A_456 = arith.minimumf %sub3A_453, %sub3A_454 : vector<16xf32>
        %min3A_457 = arith.minimumf %min3A_455, %min3A_456 : vector<16xf32>
        %max3A_458 = arith.maximumf %sub3A_451, %sub3A_452 : vector<16xf32>
        %max3A_459 = arith.maximumf %sub3A_453, %sub3A_454 : vector<16xf32>
        %max3A_460 = arith.maximumf %max3A_458, %max3A_459 : vector<16xf32>
        %add3A_461 = arith.addf %broadcast_in_dim3A_438, %broadcast_in_dim3A_444 : vector<16xf32>
        %mul3A_462 = arith.mulf %add3A_461, %broadcast_in_dim3A_1 : vector<16xf32>
        %add3A_463 = arith.addf %broadcast_in_dim3A_441, %broadcast_in_dim3A_447 : vector<16xf32>
        %mul3A_464 = arith.mulf %add3A_463, %broadcast_in_dim3A_1 : vector<16xf32>
        %sub3A_465 = arith.subf %convert_element_type3A_102, %mul3A_462 : vector<16xf32>
        %abs3A_466 = math.absf %sub3A_465 : vector<16xf32>
        %sub3A_467 = arith.subf %convert_element_type3A_107, %mul3A_464 : vector<16xf32>
        %abs3A_468 = math.absf %sub3A_467 : vector<16xf32>
        %max3A_469 = arith.maximumf %abs3A_466, %abs3A_468 : vector<16xf32>
        %sub3A_470 = arith.subf %max3A_460, %convert_element_type3A_123 : vector<16xf32>
        %sub3A_471 = arith.subf %convert_element_type3A_125, %max3A_460 : vector<16xf32>
        %min3A_472 = arith.minimumf %min3A_457, %sub3A_470 : vector<16xf32>
        %sub3A_473 = arith.subf %convert_element_type3A_109, %max3A_469 : vector<16xf32>
        %min3A_474 = arith.minimumf %min3A_472, %sub3A_473 : vector<16xf32>
        %gt3A_475 = arith.constant 0.000000e+00 : f32
        %gt3A_476 = vector.broadcast %gt3A_475 : f32 to vector<16xf32>
        %gt3A_477 = arith.cmpf ogt, %min3A_474, %gt3A_476 : vector<16xf32>
        %select_n3A_478 = arith.select %gt3A_477, %sub3A_471, %broadcast_in_dim3A_3 : vector<16xi1>, vector<16xf32>
        %ge3A_479 = arith.constant 0.000000e+00 : f32
        %ge3A_480 = vector.broadcast %ge3A_479 : f32 to vector<16xf32>
        %ge3A_481 = arith.cmpf oge, %select_n3A_478, %ge3A_480 : vector<16xf32>
        %sub3A_482 = arith.subf %add3A_110, %max3A_469 : vector<16xf32>
        %min3A_483 = arith.minimumf %sub3A_471, %sub3A_482 : vector<16xf32>
        %sub3A_484 = arith.subf %max3A_469, %convert_element_type3A_109 : vector<16xf32>
        %min3A_485 = arith.minimumf %min3A_483, %sub3A_484 : vector<16xf32>
        %gt3A_486 = arith.constant 0.000000e+00 : f32
        %gt3A_487 = vector.broadcast %gt3A_486 : f32 to vector<16xf32>
        %gt3A_488 = arith.cmpf ogt, %min3A_472, %gt3A_487 : vector<16xf32>
        %select_n3A_489 = arith.select %gt3A_488, %min3A_485, %broadcast_in_dim3A_3 : vector<16xi1>, vector<16xf32>
        %ge3A_490 = arith.constant 0.000000e+00 : f32
        %ge3A_491 = vector.broadcast %ge3A_490 : f32 to vector<16xf32>
        %ge3A_492 = arith.cmpf oge, %select_n3A_489, %ge3A_491 : vector<16xf32>
        %add3A_493 = arith.addf %sub3A_451, %sub3A_453 : vector<16xf32>
        %add3A_494 = arith.addf %sub3A_452, %sub3A_454 : vector<16xf32>
        %mul3A_495 = arith.mulf %add3A_493, %add3A_494 : vector<16xf32>
        %select_n3A_496 = arith.select %ge3A_481, %mul3A_495, %broadcast_in_dim3A_5 : vector<16xi1>, vector<16xf32>
        %lt3A_497 = arith.cmpf olt, %select_n3A_496, %select_n3A_418 : vector<16xf32>
        %select_n3A_498 = arith.select %lt3A_497, %select_n3A_496, %select_n3A_418 : vector<16xi1>, vector<16xf32>
        %select_n3A_499 = arith.select %lt3A_497, %sub3A_451, %select_n3A_419 : vector<16xi1>, vector<16xf32>
        %select_n3A_500 = arith.select %lt3A_497, %sub3A_452, %select_n3A_420 : vector<16xi1>, vector<16xf32>
        %select_n3A_501 = arith.select %lt3A_497, %sub3A_453, %select_n3A_421 : vector<16xi1>, vector<16xf32>
        %select_n3A_502 = arith.select %lt3A_497, %sub3A_454, %select_n3A_422 : vector<16xi1>, vector<16xf32>
        %select_n3A_503 = arith.select %lt3A_497, %broadcast_in_dim3A_450, %select_n3A_423 : vector<16xi1>, vector<16xf32>
        %broadcast_in_dim3A_504 = arith.constant 1.000000e+00 : f32
        %broadcast_in_dim3A_505 = vector.broadcast %broadcast_in_dim3A_504 : f32 to vector<16xf32>
        %select_n3A_506 = arith.select %ge3A_481, %broadcast_in_dim3A_505, %select_n3A_426 : vector<16xi1>, vector<16xf32>
        %select_n3A_507 = arith.select %ge3A_492, %broadcast_in_dim3A_505, %select_n3A_427 : vector<16xi1>, vector<16xf32>
        %slice3A_508 = vector.extract_strided_slice %get3A_348 {offsets = [2], sizes = [1], strides = [1]} : vector<16xi32> to vector<1xi32>
        %squeeze3A_509 = vector.extract %slice3A_508[0] : i32 from vector<1xi32>
        %mul3A_510 = arith.constant 8 : i32
        %mul3A_511 = arith.muli %squeeze3A_509, %mul3A_510 : i32
        %add3A_512 = arith.addi %mul3A_129, %mul3A_511 : i32
        %get3A_513 = arith.index_cast %add3A_512 : i32 to index
        %get3A_514 = tpu.vector_load %arg7[%get3A_513] {strides = array<i32>} : memref<2048xf32, #tpu.memory_space<vmem>>, vector<16xf32>,
        %get3A_515 = vector.shape_cast %get3A_514 : vector<16xf32> to vector<16xf32>
        %slice3A_516 = vector.extract_strided_slice %get3A_515 {offsets = [0], sizes = [1], strides = [1]} : vector<16xf32> to vector<1xf32>
        %squeeze3A_517 = vector.extract %slice3A_516[0] : f32 from vector<1xf32>
        %broadcast_in_dim3A_518 = vector.broadcast %squeeze3A_517 : f32 to vector<16xf32>
        %slice3A_519 = vector.extract_strided_slice %get3A_515 {offsets = [1], sizes = [1], strides = [1]} : vector<16xf32> to vector<1xf32>
        %squeeze3A_520 = vector.extract %slice3A_519[0] : f32 from vector<1xf32>
        %broadcast_in_dim3A_521 = vector.broadcast %squeeze3A_520 : f32 to vector<16xf32>
        %slice3A_522 = vector.extract_strided_slice %get3A_515 {offsets = [2], sizes = [1], strides = [1]} : vector<16xf32> to vector<1xf32>
        %squeeze3A_523 = vector.extract %slice3A_522[0] : f32 from vector<1xf32>
        %broadcast_in_dim3A_524 = vector.broadcast %squeeze3A_523 : f32 to vector<16xf32>
        %slice3A_525 = vector.extract_strided_slice %get3A_515 {offsets = [3], sizes = [1], strides = [1]} : vector<16xf32> to vector<1xf32>
        %squeeze3A_526 = vector.extract %slice3A_525[0] : f32 from vector<1xf32>
        %broadcast_in_dim3A_527 = vector.broadcast %squeeze3A_526 : f32 to vector<16xf32>
        %slice3A_528 = vector.extract_strided_slice %get3A_515 {offsets = [4], sizes = [1], strides = [1]} : vector<16xf32> to vector<1xf32>
        %squeeze3A_529 = vector.extract %slice3A_528[0] : f32 from vector<1xf32>
        %broadcast_in_dim3A_530 = vector.broadcast %squeeze3A_529 : f32 to vector<16xf32>
        %sub3A_531 = arith.subf %convert_element_type3A_102, %broadcast_in_dim3A_518 : vector<16xf32>
        %sub3A_532 = arith.subf %convert_element_type3A_107, %broadcast_in_dim3A_521 : vector<16xf32>
        %sub3A_533 = arith.subf %broadcast_in_dim3A_524, %convert_element_type3A_102 : vector<16xf32>
        %sub3A_534 = arith.subf %broadcast_in_dim3A_527, %convert_element_type3A_107 : vector<16xf32>
        %min3A_535 = arith.minimumf %sub3A_531, %sub3A_532 : vector<16xf32>
        %min3A_536 = arith.minimumf %sub3A_533, %sub3A_534 : vector<16xf32>
        %min3A_537 = arith.minimumf %min3A_535, %min3A_536 : vector<16xf32>
        %max3A_538 = arith.maximumf %sub3A_531, %sub3A_532 : vector<16xf32>
        %max3A_539 = arith.maximumf %sub3A_533, %sub3A_534 : vector<16xf32>
        %max3A_540 = arith.maximumf %max3A_538, %max3A_539 : vector<16xf32>
        %add3A_541 = arith.addf %broadcast_in_dim3A_518, %broadcast_in_dim3A_524 : vector<16xf32>
        %mul3A_542 = arith.mulf %add3A_541, %broadcast_in_dim3A_1 : vector<16xf32>
        %add3A_543 = arith.addf %broadcast_in_dim3A_521, %broadcast_in_dim3A_527 : vector<16xf32>
        %mul3A_544 = arith.mulf %add3A_543, %broadcast_in_dim3A_1 : vector<16xf32>
        %sub3A_545 = arith.subf %convert_element_type3A_102, %mul3A_542 : vector<16xf32>
        %abs3A_546 = math.absf %sub3A_545 : vector<16xf32>
        %sub3A_547 = arith.subf %convert_element_type3A_107, %mul3A_544 : vector<16xf32>
        %abs3A_548 = math.absf %sub3A_547 : vector<16xf32>
        %max3A_549 = arith.maximumf %abs3A_546, %abs3A_548 : vector<16xf32>
        %sub3A_550 = arith.subf %max3A_540, %convert_element_type3A_123 : vector<16xf32>
        %sub3A_551 = arith.subf %convert_element_type3A_125, %max3A_540 : vector<16xf32>
        %min3A_552 = arith.minimumf %min3A_537, %sub3A_550 : vector<16xf32>
        %sub3A_553 = arith.subf %convert_element_type3A_109, %max3A_549 : vector<16xf32>
        %min3A_554 = arith.minimumf %min3A_552, %sub3A_553 : vector<16xf32>
        %gt3A_555 = arith.constant 0.000000e+00 : f32
        %gt3A_556 = vector.broadcast %gt3A_555 : f32 to vector<16xf32>
        %gt3A_557 = arith.cmpf ogt, %min3A_554, %gt3A_556 : vector<16xf32>
        %select_n3A_558 = arith.select %gt3A_557, %sub3A_551, %broadcast_in_dim3A_3 : vector<16xi1>, vector<16xf32>
        %ge3A_559 = arith.constant 0.000000e+00 : f32
        %ge3A_560 = vector.broadcast %ge3A_559 : f32 to vector<16xf32>
        %ge3A_561 = arith.cmpf oge, %select_n3A_558, %ge3A_560 : vector<16xf32>
        %sub3A_562 = arith.subf %add3A_110, %max3A_549 : vector<16xf32>
        %min3A_563 = arith.minimumf %sub3A_551, %sub3A_562 : vector<16xf32>
        %sub3A_564 = arith.subf %max3A_549, %convert_element_type3A_109 : vector<16xf32>
        %min3A_565 = arith.minimumf %min3A_563, %sub3A_564 : vector<16xf32>
        %gt3A_566 = arith.constant 0.000000e+00 : f32
        %gt3A_567 = vector.broadcast %gt3A_566 : f32 to vector<16xf32>
        %gt3A_568 = arith.cmpf ogt, %min3A_552, %gt3A_567 : vector<16xf32>
        %select_n3A_569 = arith.select %gt3A_568, %min3A_565, %broadcast_in_dim3A_3 : vector<16xi1>, vector<16xf32>
        %ge3A_570 = arith.constant 0.000000e+00 : f32
        %ge3A_571 = vector.broadcast %ge3A_570 : f32 to vector<16xf32>
        %ge3A_572 = arith.cmpf oge, %select_n3A_569, %ge3A_571 : vector<16xf32>
        %add3A_573 = arith.addf %sub3A_531, %sub3A_533 : vector<16xf32>
        %add3A_574 = arith.addf %sub3A_532, %sub3A_534 : vector<16xf32>
        %mul3A_575 = arith.mulf %add3A_573, %add3A_574 : vector<16xf32>
        %select_n3A_576 = arith.select %ge3A_561, %mul3A_575, %broadcast_in_dim3A_5 : vector<16xi1>, vector<16xf32>
        %lt3A_577 = arith.cmpf olt, %select_n3A_576, %select_n3A_498 : vector<16xf32>
        %select_n3A_578 = arith.select %lt3A_577, %select_n3A_576, %select_n3A_498 : vector<16xi1>, vector<16xf32>
        %select_n3A_579 = arith.select %lt3A_577, %sub3A_531, %select_n3A_499 : vector<16xi1>, vector<16xf32>
        %select_n3A_580 = arith.select %lt3A_577, %sub3A_532, %select_n3A_500 : vector<16xi1>, vector<16xf32>
        %select_n3A_581 = arith.select %lt3A_577, %sub3A_533, %select_n3A_501 : vector<16xi1>, vector<16xf32>
        %select_n3A_582 = arith.select %lt3A_577, %sub3A_534, %select_n3A_502 : vector<16xi1>, vector<16xf32>
        %select_n3A_583 = arith.select %lt3A_577, %broadcast_in_dim3A_530, %select_n3A_503 : vector<16xi1>, vector<16xf32>
        %broadcast_in_dim3A_584 = arith.constant 1.000000e+00 : f32
        %broadcast_in_dim3A_585 = vector.broadcast %broadcast_in_dim3A_584 : f32 to vector<16xf32>
        %select_n3A_586 = arith.select %ge3A_561, %broadcast_in_dim3A_585, %select_n3A_506 : vector<16xi1>, vector<16xf32>
        %select_n3A_587 = arith.select %ge3A_572, %broadcast_in_dim3A_585, %select_n3A_507 : vector<16xi1>, vector<16xf32>
        %slice3A_588 = vector.extract_strided_slice %get3A_348 {offsets = [3], sizes = [1], strides = [1]} : vector<16xi32> to vector<1xi32>
        %squeeze3A_589 = vector.extract %slice3A_588[0] : i32 from vector<1xi32>
        %mul3A_590 = arith.constant 8 : i32
        %mul3A_591 = arith.muli %squeeze3A_589, %mul3A_590 : i32
        %add3A_592 = arith.addi %mul3A_129, %mul3A_591 : i32
        %get3A_593 = arith.index_cast %add3A_592 : i32 to index
        %get3A_594 = tpu.vector_load %arg7[%get3A_593] {strides = array<i32>} : memref<2048xf32, #tpu.memory_space<vmem>>, vector<16xf32>,
        %get3A_595 = vector.shape_cast %get3A_594 : vector<16xf32> to vector<16xf32>
        %slice3A_596 = vector.extract_strided_slice %get3A_595 {offsets = [0], sizes = [1], strides = [1]} : vector<16xf32> to vector<1xf32>
        %squeeze3A_597 = vector.extract %slice3A_596[0] : f32 from vector<1xf32>
        %broadcast_in_dim3A_598 = vector.broadcast %squeeze3A_597 : f32 to vector<16xf32>
        %slice3A_599 = vector.extract_strided_slice %get3A_595 {offsets = [1], sizes = [1], strides = [1]} : vector<16xf32> to vector<1xf32>
        %squeeze3A_600 = vector.extract %slice3A_599[0] : f32 from vector<1xf32>
        %broadcast_in_dim3A_601 = vector.broadcast %squeeze3A_600 : f32 to vector<16xf32>
        %slice3A_602 = vector.extract_strided_slice %get3A_595 {offsets = [2], sizes = [1], strides = [1]} : vector<16xf32> to vector<1xf32>
        %squeeze3A_603 = vector.extract %slice3A_602[0] : f32 from vector<1xf32>
        %broadcast_in_dim3A_604 = vector.broadcast %squeeze3A_603 : f32 to vector<16xf32>
        %slice3A_605 = vector.extract_strided_slice %get3A_595 {offsets = [3], sizes = [1], strides = [1]} : vector<16xf32> to vector<1xf32>
        %squeeze3A_606 = vector.extract %slice3A_605[0] : f32 from vector<1xf32>
        %broadcast_in_dim3A_607 = vector.broadcast %squeeze3A_606 : f32 to vector<16xf32>
        %slice3A_608 = vector.extract_strided_slice %get3A_595 {offsets = [4], sizes = [1], strides = [1]} : vector<16xf32> to vector<1xf32>
        %squeeze3A_609 = vector.extract %slice3A_608[0] : f32 from vector<1xf32>
        %broadcast_in_dim3A_610 = vector.broadcast %squeeze3A_609 : f32 to vector<16xf32>
        %sub3A_611 = arith.subf %convert_element_type3A_102, %broadcast_in_dim3A_598 : vector<16xf32>
        %sub3A_612 = arith.subf %convert_element_type3A_107, %broadcast_in_dim3A_601 : vector<16xf32>
        %sub3A_613 = arith.subf %broadcast_in_dim3A_604, %convert_element_type3A_102 : vector<16xf32>
        %sub3A_614 = arith.subf %broadcast_in_dim3A_607, %convert_element_type3A_107 : vector<16xf32>
        %min3A_615 = arith.minimumf %sub3A_611, %sub3A_612 : vector<16xf32>
        %min3A_616 = arith.minimumf %sub3A_613, %sub3A_614 : vector<16xf32>
        %min3A_617 = arith.minimumf %min3A_615, %min3A_616 : vector<16xf32>
        %max3A_618 = arith.maximumf %sub3A_611, %sub3A_612 : vector<16xf32>
        %max3A_619 = arith.maximumf %sub3A_613, %sub3A_614 : vector<16xf32>
        %max3A_620 = arith.maximumf %max3A_618, %max3A_619 : vector<16xf32>
        %add3A_621 = arith.addf %broadcast_in_dim3A_598, %broadcast_in_dim3A_604 : vector<16xf32>
        %mul3A_622 = arith.mulf %add3A_621, %broadcast_in_dim3A_1 : vector<16xf32>
        %add3A_623 = arith.addf %broadcast_in_dim3A_601, %broadcast_in_dim3A_607 : vector<16xf32>
        %mul3A_624 = arith.mulf %add3A_623, %broadcast_in_dim3A_1 : vector<16xf32>
        %sub3A_625 = arith.subf %convert_element_type3A_102, %mul3A_622 : vector<16xf32>
        %abs3A_626 = math.absf %sub3A_625 : vector<16xf32>
        %sub3A_627 = arith.subf %convert_element_type3A_107, %mul3A_624 : vector<16xf32>
        %abs3A_628 = math.absf %sub3A_627 : vector<16xf32>
        %max3A_629 = arith.maximumf %abs3A_626, %abs3A_628 : vector<16xf32>
        %sub3A_630 = arith.subf %max3A_620, %convert_element_type3A_123 : vector<16xf32>
        %sub3A_631 = arith.subf %convert_element_type3A_125, %max3A_620 : vector<16xf32>
        %min3A_632 = arith.minimumf %min3A_617, %sub3A_630 : vector<16xf32>
        %sub3A_633 = arith.subf %convert_element_type3A_109, %max3A_629 : vector<16xf32>
        %min3A_634 = arith.minimumf %min3A_632, %sub3A_633 : vector<16xf32>
        %gt3A_635 = arith.constant 0.000000e+00 : f32
        %gt3A_636 = vector.broadcast %gt3A_635 : f32 to vector<16xf32>
        %gt3A_637 = arith.cmpf ogt, %min3A_634, %gt3A_636 : vector<16xf32>
        %select_n3A_638 = arith.select %gt3A_637, %sub3A_631, %broadcast_in_dim3A_3 : vector<16xi1>, vector<16xf32>
        %ge3A_639 = arith.constant 0.000000e+00 : f32
        %ge3A_640 = vector.broadcast %ge3A_639 : f32 to vector<16xf32>
        %ge3A_641 = arith.cmpf oge, %select_n3A_638, %ge3A_640 : vector<16xf32>
        %sub3A_642 = arith.subf %add3A_110, %max3A_629 : vector<16xf32>
        %min3A_643 = arith.minimumf %sub3A_631, %sub3A_642 : vector<16xf32>
        %sub3A_644 = arith.subf %max3A_629, %convert_element_type3A_109 : vector<16xf32>
        %min3A_645 = arith.minimumf %min3A_643, %sub3A_644 : vector<16xf32>
        %gt3A_646 = arith.constant 0.000000e+00 : f32
        %gt3A_647 = vector.broadcast %gt3A_646 : f32 to vector<16xf32>
        %gt3A_648 = arith.cmpf ogt, %min3A_632, %gt3A_647 : vector<16xf32>
        %select_n3A_649 = arith.select %gt3A_648, %min3A_645, %broadcast_in_dim3A_3 : vector<16xi1>, vector<16xf32>
        %ge3A_650 = arith.constant 0.000000e+00 : f32
        %ge3A_651 = vector.broadcast %ge3A_650 : f32 to vector<16xf32>
        %ge3A_652 = arith.cmpf oge, %select_n3A_649, %ge3A_651 : vector<16xf32>
        %add3A_653 = arith.addf %sub3A_611, %sub3A_613 : vector<16xf32>
        %add3A_654 = arith.addf %sub3A_612, %sub3A_614 : vector<16xf32>
        %mul3A_655 = arith.mulf %add3A_653, %add3A_654 : vector<16xf32>
        %select_n3A_656 = arith.select %ge3A_641, %mul3A_655, %broadcast_in_dim3A_5 : vector<16xi1>, vector<16xf32>
        %lt3A_657 = arith.cmpf olt, %select_n3A_656, %select_n3A_578 : vector<16xf32>
        %select_n3A_658 = arith.select %lt3A_657, %select_n3A_656, %select_n3A_578 : vector<16xi1>, vector<16xf32>
        %select_n3A_659 = arith.select %lt3A_657, %sub3A_611, %select_n3A_579 : vector<16xi1>, vector<16xf32>
        %select_n3A_660 = arith.select %lt3A_657, %sub3A_612, %select_n3A_580 : vector<16xi1>, vector<16xf32>
        %select_n3A_661 = arith.select %lt3A_657, %sub3A_613, %select_n3A_581 : vector<16xi1>, vector<16xf32>
        %select_n3A_662 = arith.select %lt3A_657, %sub3A_614, %select_n3A_582 : vector<16xi1>, vector<16xf32>
        %select_n3A_663 = arith.select %lt3A_657, %broadcast_in_dim3A_610, %select_n3A_583 : vector<16xi1>, vector<16xf32>
        %broadcast_in_dim3A_664 = arith.constant 1.000000e+00 : f32
        %broadcast_in_dim3A_665 = vector.broadcast %broadcast_in_dim3A_664 : f32 to vector<16xf32>
        %select_n3A_666 = arith.select %ge3A_641, %broadcast_in_dim3A_665, %select_n3A_586 : vector<16xi1>, vector<16xf32>
        %select_n3A_667 = arith.select %ge3A_652, %broadcast_in_dim3A_665, %select_n3A_587 : vector<16xi1>, vector<16xf32>
        scf.yield %select_n3A_658, %select_n3A_659, %select_n3A_660, %select_n3A_661, %select_n3A_662, %select_n3A_663, %select_n3A_666, %select_n3A_667 : vector<16xf32>, vector<16xf32>, vector<16xf32>, vector<16xf32>, vector<16xf32>, vector<16xf32>, vector<16xf32>, vector<16xf32>
      }
      %while3A_181 = arith.constant 1 : i32
      %while3A_182:8 = scf.for %while3A_332 = %while3A_178 to %while3A_174 step %while3A_181 iter_args(%while3A_333 = %while3A_180#0, %while3A_334 = %while3A_180#1, %while3A_335 = %while3A_180#2, %while3A_336 = %while3A_180#3, %while3A_337 = %while3A_180#4, %while3A_338 = %while3A_180#5, %while3A_339 = %while3A_180#6, %while3A_340 = %while3A_180#7) -> (vector<16xf32>, vector<16xf32>, vector<16xf32>, vector<16xf32>, vector<16xf32>, vector<16xf32>, vector<16xf32>, vector<16xf32>)  : i32 {
        %add3A_341 = arith.constant 8 : i32
        %add3A_342 = arith.addi %min3A_166, %add3A_341 : i32
        %mul3A_343 = arith.constant 8 : i32
        %mul3A_344 = arith.muli %while3A_332, %mul3A_343 : i32
        %add3A_345 = arith.addi %add3A_342, %mul3A_344 : i32
        %get3A_346 = arith.index_cast %add3A_345 : i32 to index
        %get3A_347 = tpu.vector_load %arg8[%get3A_346] {strides = array<i32>} : memref<29280xi32, #tpu.memory_space<vmem>>, vector<16xi32>,
        %get3A_348 = vector.shape_cast %get3A_347 : vector<16xi32> to vector<16xi32>
        %slice3A_349 = vector.extract_strided_slice %get3A_348 {offsets = [0], sizes = [1], strides = [1]} : vector<16xi32> to vector<1xi32>
        %squeeze3A_350 = vector.extract %slice3A_349[0] : i32 from vector<1xi32>
        %mul3A_351 = arith.constant 8 : i32
        %mul3A_352 = arith.muli %squeeze3A_350, %mul3A_351 : i32
        %add3A_353 = arith.addi %mul3A_129, %mul3A_352 : i32
        %get3A_354 = arith.index_cast %add3A_353 : i32 to index
        %get3A_355 = tpu.vector_load %arg7[%get3A_354] {strides = array<i32>} : memref<2048xf32, #tpu.memory_space<vmem>>, vector<16xf32>,
        %get3A_356 = vector.shape_cast %get3A_355 : vector<16xf32> to vector<16xf32>
        %slice3A_357 = vector.extract_strided_slice %get3A_356 {offsets = [0], sizes = [1], strides = [1]} : vector<16xf32> to vector<1xf32>
        %squeeze3A_358 = vector.extract %slice3A_357[0] : f32 from vector<1xf32>
        %broadcast_in_dim3A_359 = vector.broadcast %squeeze3A_358 : f32 to vector<16xf32>
        %slice3A_360 = vector.extract_strided_slice %get3A_356 {offsets = [1], sizes = [1], strides = [1]} : vector<16xf32> to vector<1xf32>
        %squeeze3A_361 = vector.extract %slice3A_360[0] : f32 from vector<1xf32>
        %broadcast_in_dim3A_362 = vector.broadcast %squeeze3A_361 : f32 to vector<16xf32>
        %slice3A_363 = vector.extract_strided_slice %get3A_356 {offsets = [2], sizes = [1], strides = [1]} : vector<16xf32> to vector<1xf32>
        %squeeze3A_364 = vector.extract %slice3A_363[0] : f32 from vector<1xf32>
        %broadcast_in_dim3A_365 = vector.broadcast %squeeze3A_364 : f32 to vector<16xf32>
        %slice3A_366 = vector.extract_strided_slice %get3A_356 {offsets = [3], sizes = [1], strides = [1]} : vector<16xf32> to vector<1xf32>
        %squeeze3A_367 = vector.extract %slice3A_366[0] : f32 from vector<1xf32>
        %broadcast_in_dim3A_368 = vector.broadcast %squeeze3A_367 : f32 to vector<16xf32>
        %slice3A_369 = vector.extract_strided_slice %get3A_356 {offsets = [4], sizes = [1], strides = [1]} : vector<16xf32> to vector<1xf32>
        %squeeze3A_370 = vector.extract %slice3A_369[0] : f32 from vector<1xf32>
        %broadcast_in_dim3A_371 = vector.broadcast %squeeze3A_370 : f32 to vector<16xf32>
        %sub3A_372 = arith.subf %convert_element_type3A_102, %broadcast_in_dim3A_359 : vector<16xf32>
        %sub3A_373 = arith.subf %convert_element_type3A_107, %broadcast_in_dim3A_362 : vector<16xf32>
        %sub3A_374 = arith.subf %broadcast_in_dim3A_365, %convert_element_type3A_102 : vector<16xf32>
        %sub3A_375 = arith.subf %broadcast_in_dim3A_368, %convert_element_type3A_107 : vector<16xf32>
        %min3A_376 = arith.minimumf %sub3A_372, %sub3A_373 : vector<16xf32>
        %min3A_377 = arith.minimumf %sub3A_374, %sub3A_375 : vector<16xf32>
        %min3A_378 = arith.minimumf %min3A_376, %min3A_377 : vector<16xf32>
        %max3A_379 = arith.maximumf %sub3A_372, %sub3A_373 : vector<16xf32>
        %max3A_380 = arith.maximumf %sub3A_374, %sub3A_375 : vector<16xf32>
        %max3A_381 = arith.maximumf %max3A_379, %max3A_380 : vector<16xf32>
        %add3A_382 = arith.addf %broadcast_in_dim3A_359, %broadcast_in_dim3A_365 : vector<16xf32>
        %mul3A_383 = arith.mulf %add3A_382, %broadcast_in_dim3A_1 : vector<16xf32>
        %add3A_384 = arith.addf %broadcast_in_dim3A_362, %broadcast_in_dim3A_368 : vector<16xf32>
        %mul3A_385 = arith.mulf %add3A_384, %broadcast_in_dim3A_1 : vector<16xf32>
        %sub3A_386 = arith.subf %convert_element_type3A_102, %mul3A_383 : vector<16xf32>
        %abs3A = math.absf %sub3A_386 : vector<16xf32>
        %sub3A_387 = arith.subf %convert_element_type3A_107, %mul3A_385 : vector<16xf32>
        %abs3A_388 = math.absf %sub3A_387 : vector<16xf32>
        %max3A_389 = arith.maximumf %abs3A, %abs3A_388 : vector<16xf32>
        %sub3A_390 = arith.subf %max3A_381, %convert_element_type3A_123 : vector<16xf32>
        %sub3A_391 = arith.subf %convert_element_type3A_125, %max3A_381 : vector<16xf32>
        %min3A_392 = arith.minimumf %min3A_378, %sub3A_390 : vector<16xf32>
        %sub3A_393 = arith.subf %convert_element_type3A_109, %max3A_389 : vector<16xf32>
        %min3A_394 = arith.minimumf %min3A_392, %sub3A_393 : vector<16xf32>
        %gt3A_395 = arith.constant 0.000000e+00 : f32
        %gt3A_396 = vector.broadcast %gt3A_395 : f32 to vector<16xf32>
        %gt3A_397 = arith.cmpf ogt, %min3A_394, %gt3A_396 : vector<16xf32>
        %select_n3A_398 = arith.select %gt3A_397, %sub3A_391, %broadcast_in_dim3A_3 : vector<16xi1>, vector<16xf32>
        %ge3A_399 = arith.constant 0.000000e+00 : f32
        %ge3A_400 = vector.broadcast %ge3A_399 : f32 to vector<16xf32>
        %ge3A_401 = arith.cmpf oge, %select_n3A_398, %ge3A_400 : vector<16xf32>
        %sub3A_402 = arith.subf %add3A_110, %max3A_389 : vector<16xf32>
        %min3A_403 = arith.minimumf %sub3A_391, %sub3A_402 : vector<16xf32>
        %sub3A_404 = arith.subf %max3A_389, %convert_element_type3A_109 : vector<16xf32>
        %min3A_405 = arith.minimumf %min3A_403, %sub3A_404 : vector<16xf32>
        %gt3A_406 = arith.constant 0.000000e+00 : f32
        %gt3A_407 = vector.broadcast %gt3A_406 : f32 to vector<16xf32>
        %gt3A_408 = arith.cmpf ogt, %min3A_392, %gt3A_407 : vector<16xf32>
        %select_n3A_409 = arith.select %gt3A_408, %min3A_405, %broadcast_in_dim3A_3 : vector<16xi1>, vector<16xf32>
        %ge3A_410 = arith.constant 0.000000e+00 : f32
        %ge3A_411 = vector.broadcast %ge3A_410 : f32 to vector<16xf32>
        %ge3A_412 = arith.cmpf oge, %select_n3A_409, %ge3A_411 : vector<16xf32>
        %add3A_413 = arith.addf %sub3A_372, %sub3A_374 : vector<16xf32>
        %add3A_414 = arith.addf %sub3A_373, %sub3A_375 : vector<16xf32>
        %mul3A_415 = arith.mulf %add3A_413, %add3A_414 : vector<16xf32>
        %select_n3A_416 = arith.select %ge3A_401, %mul3A_415, %broadcast_in_dim3A_5 : vector<16xi1>, vector<16xf32>
        %lt3A_417 = arith.cmpf olt, %select_n3A_416, %while3A_333 : vector<16xf32>
        %select_n3A_418 = arith.select %lt3A_417, %select_n3A_416, %while3A_333 : vector<16xi1>, vector<16xf32>
        %select_n3A_419 = arith.select %lt3A_417, %sub3A_372, %while3A_334 : vector<16xi1>, vector<16xf32>
        %select_n3A_420 = arith.select %lt3A_417, %sub3A_373, %while3A_335 : vector<16xi1>, vector<16xf32>
        %select_n3A_421 = arith.select %lt3A_417, %sub3A_374, %while3A_336 : vector<16xi1>, vector<16xf32>
        %select_n3A_422 = arith.select %lt3A_417, %sub3A_375, %while3A_337 : vector<16xi1>, vector<16xf32>
        %select_n3A_423 = arith.select %lt3A_417, %broadcast_in_dim3A_371, %while3A_338 : vector<16xi1>, vector<16xf32>
        %broadcast_in_dim3A_424 = arith.constant 1.000000e+00 : f32
        %broadcast_in_dim3A_425 = vector.broadcast %broadcast_in_dim3A_424 : f32 to vector<16xf32>
        %select_n3A_426 = arith.select %ge3A_401, %broadcast_in_dim3A_425, %while3A_339 : vector<16xi1>, vector<16xf32>
        %select_n3A_427 = arith.select %ge3A_412, %broadcast_in_dim3A_425, %while3A_340 : vector<16xi1>, vector<16xf32>
        %slice3A_428 = vector.extract_strided_slice %get3A_348 {offsets = [1], sizes = [1], strides = [1]} : vector<16xi32> to vector<1xi32>
        %squeeze3A_429 = vector.extract %slice3A_428[0] : i32 from vector<1xi32>
        %mul3A_430 = arith.constant 8 : i32
        %mul3A_431 = arith.muli %squeeze3A_429, %mul3A_430 : i32
        %add3A_432 = arith.addi %mul3A_129, %mul3A_431 : i32
        %get3A_433 = arith.index_cast %add3A_432 : i32 to index
        %get3A_434 = tpu.vector_load %arg7[%get3A_433] {strides = array<i32>} : memref<2048xf32, #tpu.memory_space<vmem>>, vector<16xf32>,
        %get3A_435 = vector.shape_cast %get3A_434 : vector<16xf32> to vector<16xf32>
        %slice3A_436 = vector.extract_strided_slice %get3A_435 {offsets = [0], sizes = [1], strides = [1]} : vector<16xf32> to vector<1xf32>
        %squeeze3A_437 = vector.extract %slice3A_436[0] : f32 from vector<1xf32>
        %broadcast_in_dim3A_438 = vector.broadcast %squeeze3A_437 : f32 to vector<16xf32>
        %slice3A_439 = vector.extract_strided_slice %get3A_435 {offsets = [1], sizes = [1], strides = [1]} : vector<16xf32> to vector<1xf32>
        %squeeze3A_440 = vector.extract %slice3A_439[0] : f32 from vector<1xf32>
        %broadcast_in_dim3A_441 = vector.broadcast %squeeze3A_440 : f32 to vector<16xf32>
        %slice3A_442 = vector.extract_strided_slice %get3A_435 {offsets = [2], sizes = [1], strides = [1]} : vector<16xf32> to vector<1xf32>
        %squeeze3A_443 = vector.extract %slice3A_442[0] : f32 from vector<1xf32>
        %broadcast_in_dim3A_444 = vector.broadcast %squeeze3A_443 : f32 to vector<16xf32>
        %slice3A_445 = vector.extract_strided_slice %get3A_435 {offsets = [3], sizes = [1], strides = [1]} : vector<16xf32> to vector<1xf32>
        %squeeze3A_446 = vector.extract %slice3A_445[0] : f32 from vector<1xf32>
        %broadcast_in_dim3A_447 = vector.broadcast %squeeze3A_446 : f32 to vector<16xf32>
        %slice3A_448 = vector.extract_strided_slice %get3A_435 {offsets = [4], sizes = [1], strides = [1]} : vector<16xf32> to vector<1xf32>
        %squeeze3A_449 = vector.extract %slice3A_448[0] : f32 from vector<1xf32>
        %broadcast_in_dim3A_450 = vector.broadcast %squeeze3A_449 : f32 to vector<16xf32>
        %sub3A_451 = arith.subf %convert_element_type3A_102, %broadcast_in_dim3A_438 : vector<16xf32>
        %sub3A_452 = arith.subf %convert_element_type3A_107, %broadcast_in_dim3A_441 : vector<16xf32>
        %sub3A_453 = arith.subf %broadcast_in_dim3A_444, %convert_element_type3A_102 : vector<16xf32>
        %sub3A_454 = arith.subf %broadcast_in_dim3A_447, %convert_element_type3A_107 : vector<16xf32>
        %min3A_455 = arith.minimumf %sub3A_451, %sub3A_452 : vector<16xf32>
        %min3A_456 = arith.minimumf %sub3A_453, %sub3A_454 : vector<16xf32>
        %min3A_457 = arith.minimumf %min3A_455, %min3A_456 : vector<16xf32>
        %max3A_458 = arith.maximumf %sub3A_451, %sub3A_452 : vector<16xf32>
        %max3A_459 = arith.maximumf %sub3A_453, %sub3A_454 : vector<16xf32>
        %max3A_460 = arith.maximumf %max3A_458, %max3A_459 : vector<16xf32>
        %add3A_461 = arith.addf %broadcast_in_dim3A_438, %broadcast_in_dim3A_444 : vector<16xf32>
        %mul3A_462 = arith.mulf %add3A_461, %broadcast_in_dim3A_1 : vector<16xf32>
        %add3A_463 = arith.addf %broadcast_in_dim3A_441, %broadcast_in_dim3A_447 : vector<16xf32>
        %mul3A_464 = arith.mulf %add3A_463, %broadcast_in_dim3A_1 : vector<16xf32>
        %sub3A_465 = arith.subf %convert_element_type3A_102, %mul3A_462 : vector<16xf32>
        %abs3A_466 = math.absf %sub3A_465 : vector<16xf32>
        %sub3A_467 = arith.subf %convert_element_type3A_107, %mul3A_464 : vector<16xf32>
        %abs3A_468 = math.absf %sub3A_467 : vector<16xf32>
        %max3A_469 = arith.maximumf %abs3A_466, %abs3A_468 : vector<16xf32>
        %sub3A_470 = arith.subf %max3A_460, %convert_element_type3A_123 : vector<16xf32>
        %sub3A_471 = arith.subf %convert_element_type3A_125, %max3A_460 : vector<16xf32>
        %min3A_472 = arith.minimumf %min3A_457, %sub3A_470 : vector<16xf32>
        %sub3A_473 = arith.subf %convert_element_type3A_109, %max3A_469 : vector<16xf32>
        %min3A_474 = arith.minimumf %min3A_472, %sub3A_473 : vector<16xf32>
        %gt3A_475 = arith.constant 0.000000e+00 : f32
        %gt3A_476 = vector.broadcast %gt3A_475 : f32 to vector<16xf32>
        %gt3A_477 = arith.cmpf ogt, %min3A_474, %gt3A_476 : vector<16xf32>
        %select_n3A_478 = arith.select %gt3A_477, %sub3A_471, %broadcast_in_dim3A_3 : vector<16xi1>, vector<16xf32>
        %ge3A_479 = arith.constant 0.000000e+00 : f32
        %ge3A_480 = vector.broadcast %ge3A_479 : f32 to vector<16xf32>
        %ge3A_481 = arith.cmpf oge, %select_n3A_478, %ge3A_480 : vector<16xf32>
        %sub3A_482 = arith.subf %add3A_110, %max3A_469 : vector<16xf32>
        %min3A_483 = arith.minimumf %sub3A_471, %sub3A_482 : vector<16xf32>
        %sub3A_484 = arith.subf %max3A_469, %convert_element_type3A_109 : vector<16xf32>
        %min3A_485 = arith.minimumf %min3A_483, %sub3A_484 : vector<16xf32>
        %gt3A_486 = arith.constant 0.000000e+00 : f32
        %gt3A_487 = vector.broadcast %gt3A_486 : f32 to vector<16xf32>
        %gt3A_488 = arith.cmpf ogt, %min3A_472, %gt3A_487 : vector<16xf32>
        %select_n3A_489 = arith.select %gt3A_488, %min3A_485, %broadcast_in_dim3A_3 : vector<16xi1>, vector<16xf32>
        %ge3A_490 = arith.constant 0.000000e+00 : f32
        %ge3A_491 = vector.broadcast %ge3A_490 : f32 to vector<16xf32>
        %ge3A_492 = arith.cmpf oge, %select_n3A_489, %ge3A_491 : vector<16xf32>
        %add3A_493 = arith.addf %sub3A_451, %sub3A_453 : vector<16xf32>
        %add3A_494 = arith.addf %sub3A_452, %sub3A_454 : vector<16xf32>
        %mul3A_495 = arith.mulf %add3A_493, %add3A_494 : vector<16xf32>
        %select_n3A_496 = arith.select %ge3A_481, %mul3A_495, %broadcast_in_dim3A_5 : vector<16xi1>, vector<16xf32>
        %lt3A_497 = arith.cmpf olt, %select_n3A_496, %select_n3A_418 : vector<16xf32>
        %select_n3A_498 = arith.select %lt3A_497, %select_n3A_496, %select_n3A_418 : vector<16xi1>, vector<16xf32>
        %select_n3A_499 = arith.select %lt3A_497, %sub3A_451, %select_n3A_419 : vector<16xi1>, vector<16xf32>
        %select_n3A_500 = arith.select %lt3A_497, %sub3A_452, %select_n3A_420 : vector<16xi1>, vector<16xf32>
        %select_n3A_501 = arith.select %lt3A_497, %sub3A_453, %select_n3A_421 : vector<16xi1>, vector<16xf32>
        %select_n3A_502 = arith.select %lt3A_497, %sub3A_454, %select_n3A_422 : vector<16xi1>, vector<16xf32>
        %select_n3A_503 = arith.select %lt3A_497, %broadcast_in_dim3A_450, %select_n3A_423 : vector<16xi1>, vector<16xf32>
        %broadcast_in_dim3A_504 = arith.constant 1.000000e+00 : f32
        %broadcast_in_dim3A_505 = vector.broadcast %broadcast_in_dim3A_504 : f32 to vector<16xf32>
        %select_n3A_506 = arith.select %ge3A_481, %broadcast_in_dim3A_505, %select_n3A_426 : vector<16xi1>, vector<16xf32>
        %select_n3A_507 = arith.select %ge3A_492, %broadcast_in_dim3A_505, %select_n3A_427 : vector<16xi1>, vector<16xf32>
        %slice3A_508 = vector.extract_strided_slice %get3A_348 {offsets = [2], sizes = [1], strides = [1]} : vector<16xi32> to vector<1xi32>
        %squeeze3A_509 = vector.extract %slice3A_508[0] : i32 from vector<1xi32>
        %mul3A_510 = arith.constant 8 : i32
        %mul3A_511 = arith.muli %squeeze3A_509, %mul3A_510 : i32
        %add3A_512 = arith.addi %mul3A_129, %mul3A_511 : i32
        %get3A_513 = arith.index_cast %add3A_512 : i32 to index
        %get3A_514 = tpu.vector_load %arg7[%get3A_513] {strides = array<i32>} : memref<2048xf32, #tpu.memory_space<vmem>>, vector<16xf32>,
        %get3A_515 = vector.shape_cast %get3A_514 : vector<16xf32> to vector<16xf32>
        %slice3A_516 = vector.extract_strided_slice %get3A_515 {offsets = [0], sizes = [1], strides = [1]} : vector<16xf32> to vector<1xf32>
        %squeeze3A_517 = vector.extract %slice3A_516[0] : f32 from vector<1xf32>
        %broadcast_in_dim3A_518 = vector.broadcast %squeeze3A_517 : f32 to vector<16xf32>
        %slice3A_519 = vector.extract_strided_slice %get3A_515 {offsets = [1], sizes = [1], strides = [1]} : vector<16xf32> to vector<1xf32>
        %squeeze3A_520 = vector.extract %slice3A_519[0] : f32 from vector<1xf32>
        %broadcast_in_dim3A_521 = vector.broadcast %squeeze3A_520 : f32 to vector<16xf32>
        %slice3A_522 = vector.extract_strided_slice %get3A_515 {offsets = [2], sizes = [1], strides = [1]} : vector<16xf32> to vector<1xf32>
        %squeeze3A_523 = vector.extract %slice3A_522[0] : f32 from vector<1xf32>
        %broadcast_in_dim3A_524 = vector.broadcast %squeeze3A_523 : f32 to vector<16xf32>
        %slice3A_525 = vector.extract_strided_slice %get3A_515 {offsets = [3], sizes = [1], strides = [1]} : vector<16xf32> to vector<1xf32>
        %squeeze3A_526 = vector.extract %slice3A_525[0] : f32 from vector<1xf32>
        %broadcast_in_dim3A_527 = vector.broadcast %squeeze3A_526 : f32 to vector<16xf32>
        %slice3A_528 = vector.extract_strided_slice %get3A_515 {offsets = [4], sizes = [1], strides = [1]} : vector<16xf32> to vector<1xf32>
        %squeeze3A_529 = vector.extract %slice3A_528[0] : f32 from vector<1xf32>
        %broadcast_in_dim3A_530 = vector.broadcast %squeeze3A_529 : f32 to vector<16xf32>
        %sub3A_531 = arith.subf %convert_element_type3A_102, %broadcast_in_dim3A_518 : vector<16xf32>
        %sub3A_532 = arith.subf %convert_element_type3A_107, %broadcast_in_dim3A_521 : vector<16xf32>
        %sub3A_533 = arith.subf %broadcast_in_dim3A_524, %convert_element_type3A_102 : vector<16xf32>
        %sub3A_534 = arith.subf %broadcast_in_dim3A_527, %convert_element_type3A_107 : vector<16xf32>
        %min3A_535 = arith.minimumf %sub3A_531, %sub3A_532 : vector<16xf32>
        %min3A_536 = arith.minimumf %sub3A_533, %sub3A_534 : vector<16xf32>
        %min3A_537 = arith.minimumf %min3A_535, %min3A_536 : vector<16xf32>
        %max3A_538 = arith.maximumf %sub3A_531, %sub3A_532 : vector<16xf32>
        %max3A_539 = arith.maximumf %sub3A_533, %sub3A_534 : vector<16xf32>
        %max3A_540 = arith.maximumf %max3A_538, %max3A_539 : vector<16xf32>
        %add3A_541 = arith.addf %broadcast_in_dim3A_518, %broadcast_in_dim3A_524 : vector<16xf32>
        %mul3A_542 = arith.mulf %add3A_541, %broadcast_in_dim3A_1 : vector<16xf32>
        %add3A_543 = arith.addf %broadcast_in_dim3A_521, %broadcast_in_dim3A_527 : vector<16xf32>
        %mul3A_544 = arith.mulf %add3A_543, %broadcast_in_dim3A_1 : vector<16xf32>
        %sub3A_545 = arith.subf %convert_element_type3A_102, %mul3A_542 : vector<16xf32>
        %abs3A_546 = math.absf %sub3A_545 : vector<16xf32>
        %sub3A_547 = arith.subf %convert_element_type3A_107, %mul3A_544 : vector<16xf32>
        %abs3A_548 = math.absf %sub3A_547 : vector<16xf32>
        %max3A_549 = arith.maximumf %abs3A_546, %abs3A_548 : vector<16xf32>
        %sub3A_550 = arith.subf %max3A_540, %convert_element_type3A_123 : vector<16xf32>
        %sub3A_551 = arith.subf %convert_element_type3A_125, %max3A_540 : vector<16xf32>
        %min3A_552 = arith.minimumf %min3A_537, %sub3A_550 : vector<16xf32>
        %sub3A_553 = arith.subf %convert_element_type3A_109, %max3A_549 : vector<16xf32>
        %min3A_554 = arith.minimumf %min3A_552, %sub3A_553 : vector<16xf32>
        %gt3A_555 = arith.constant 0.000000e+00 : f32
        %gt3A_556 = vector.broadcast %gt3A_555 : f32 to vector<16xf32>
        %gt3A_557 = arith.cmpf ogt, %min3A_554, %gt3A_556 : vector<16xf32>
        %select_n3A_558 = arith.select %gt3A_557, %sub3A_551, %broadcast_in_dim3A_3 : vector<16xi1>, vector<16xf32>
        %ge3A_559 = arith.constant 0.000000e+00 : f32
        %ge3A_560 = vector.broadcast %ge3A_559 : f32 to vector<16xf32>
        %ge3A_561 = arith.cmpf oge, %select_n3A_558, %ge3A_560 : vector<16xf32>
        %sub3A_562 = arith.subf %add3A_110, %max3A_549 : vector<16xf32>
        %min3A_563 = arith.minimumf %sub3A_551, %sub3A_562 : vector<16xf32>
        %sub3A_564 = arith.subf %max3A_549, %convert_element_type3A_109 : vector<16xf32>
        %min3A_565 = arith.minimumf %min3A_563, %sub3A_564 : vector<16xf32>
        %gt3A_566 = arith.constant 0.000000e+00 : f32
        %gt3A_567 = vector.broadcast %gt3A_566 : f32 to vector<16xf32>
        %gt3A_568 = arith.cmpf ogt, %min3A_552, %gt3A_567 : vector<16xf32>
        %select_n3A_569 = arith.select %gt3A_568, %min3A_565, %broadcast_in_dim3A_3 : vector<16xi1>, vector<16xf32>
        %ge3A_570 = arith.constant 0.000000e+00 : f32
        %ge3A_571 = vector.broadcast %ge3A_570 : f32 to vector<16xf32>
        %ge3A_572 = arith.cmpf oge, %select_n3A_569, %ge3A_571 : vector<16xf32>
        %add3A_573 = arith.addf %sub3A_531, %sub3A_533 : vector<16xf32>
        %add3A_574 = arith.addf %sub3A_532, %sub3A_534 : vector<16xf32>
        %mul3A_575 = arith.mulf %add3A_573, %add3A_574 : vector<16xf32>
        %select_n3A_576 = arith.select %ge3A_561, %mul3A_575, %broadcast_in_dim3A_5 : vector<16xi1>, vector<16xf32>
        %lt3A_577 = arith.cmpf olt, %select_n3A_576, %select_n3A_498 : vector<16xf32>
        %select_n3A_578 = arith.select %lt3A_577, %select_n3A_576, %select_n3A_498 : vector<16xi1>, vector<16xf32>
        %select_n3A_579 = arith.select %lt3A_577, %sub3A_531, %select_n3A_499 : vector<16xi1>, vector<16xf32>
        %select_n3A_580 = arith.select %lt3A_577, %sub3A_532, %select_n3A_500 : vector<16xi1>, vector<16xf32>
        %select_n3A_581 = arith.select %lt3A_577, %sub3A_533, %select_n3A_501 : vector<16xi1>, vector<16xf32>
        %select_n3A_582 = arith.select %lt3A_577, %sub3A_534, %select_n3A_502 : vector<16xi1>, vector<16xf32>
        %select_n3A_583 = arith.select %lt3A_577, %broadcast_in_dim3A_530, %select_n3A_503 : vector<16xi1>, vector<16xf32>
        %broadcast_in_dim3A_584 = arith.constant 1.000000e+00 : f32
        %broadcast_in_dim3A_585 = vector.broadcast %broadcast_in_dim3A_584 : f32 to vector<16xf32>
        %select_n3A_586 = arith.select %ge3A_561, %broadcast_in_dim3A_585, %select_n3A_506 : vector<16xi1>, vector<16xf32>
        %select_n3A_587 = arith.select %ge3A_572, %broadcast_in_dim3A_585, %select_n3A_507 : vector<16xi1>, vector<16xf32>
        %slice3A_588 = vector.extract_strided_slice %get3A_348 {offsets = [3], sizes = [1], strides = [1]} : vector<16xi32> to vector<1xi32>
        %squeeze3A_589 = vector.extract %slice3A_588[0] : i32 from vector<1xi32>
        %mul3A_590 = arith.constant 8 : i32
        %mul3A_591 = arith.muli %squeeze3A_589, %mul3A_590 : i32
        %add3A_592 = arith.addi %mul3A_129, %mul3A_591 : i32
        %get3A_593 = arith.index_cast %add3A_592 : i32 to index
        %get3A_594 = tpu.vector_load %arg7[%get3A_593] {strides = array<i32>} : memref<2048xf32, #tpu.memory_space<vmem>>, vector<16xf32>,
        %get3A_595 = vector.shape_cast %get3A_594 : vector<16xf32> to vector<16xf32>
        %slice3A_596 = vector.extract_strided_slice %get3A_595 {offsets = [0], sizes = [1], strides = [1]} : vector<16xf32> to vector<1xf32>
        %squeeze3A_597 = vector.extract %slice3A_596[0] : f32 from vector<1xf32>
        %broadcast_in_dim3A_598 = vector.broadcast %squeeze3A_597 : f32 to vector<16xf32>
        %slice3A_599 = vector.extract_strided_slice %get3A_595 {offsets = [1], sizes = [1], strides = [1]} : vector<16xf32> to vector<1xf32>
        %squeeze3A_600 = vector.extract %slice3A_599[0] : f32 from vector<1xf32>
        %broadcast_in_dim3A_601 = vector.broadcast %squeeze3A_600 : f32 to vector<16xf32>
        %slice3A_602 = vector.extract_strided_slice %get3A_595 {offsets = [2], sizes = [1], strides = [1]} : vector<16xf32> to vector<1xf32>
        %squeeze3A_603 = vector.extract %slice3A_602[0] : f32 from vector<1xf32>
        %broadcast_in_dim3A_604 = vector.broadcast %squeeze3A_603 : f32 to vector<16xf32>
        %slice3A_605 = vector.extract_strided_slice %get3A_595 {offsets = [3], sizes = [1], strides = [1]} : vector<16xf32> to vector<1xf32>
        %squeeze3A_606 = vector.extract %slice3A_605[0] : f32 from vector<1xf32>
        %broadcast_in_dim3A_607 = vector.broadcast %squeeze3A_606 : f32 to vector<16xf32>
        %slice3A_608 = vector.extract_strided_slice %get3A_595 {offsets = [4], sizes = [1], strides = [1]} : vector<16xf32> to vector<1xf32>
        %squeeze3A_609 = vector.extract %slice3A_608[0] : f32 from vector<1xf32>
        %broadcast_in_dim3A_610 = vector.broadcast %squeeze3A_609 : f32 to vector<16xf32>
        %sub3A_611 = arith.subf %convert_element_type3A_102, %broadcast_in_dim3A_598 : vector<16xf32>
        %sub3A_612 = arith.subf %convert_element_type3A_107, %broadcast_in_dim3A_601 : vector<16xf32>
        %sub3A_613 = arith.subf %broadcast_in_dim3A_604, %convert_element_type3A_102 : vector<16xf32>
        %sub3A_614 = arith.subf %broadcast_in_dim3A_607, %convert_element_type3A_107 : vector<16xf32>
        %min3A_615 = arith.minimumf %sub3A_611, %sub3A_612 : vector<16xf32>
        %min3A_616 = arith.minimumf %sub3A_613, %sub3A_614 : vector<16xf32>
        %min3A_617 = arith.minimumf %min3A_615, %min3A_616 : vector<16xf32>
        %max3A_618 = arith.maximumf %sub3A_611, %sub3A_612 : vector<16xf32>
        %max3A_619 = arith.maximumf %sub3A_613, %sub3A_614 : vector<16xf32>
        %max3A_620 = arith.maximumf %max3A_618, %max3A_619 : vector<16xf32>
        %add3A_621 = arith.addf %broadcast_in_dim3A_598, %broadcast_in_dim3A_604 : vector<16xf32>
        %mul3A_622 = arith.mulf %add3A_621, %broadcast_in_dim3A_1 : vector<16xf32>
        %add3A_623 = arith.addf %broadcast_in_dim3A_601, %broadcast_in_dim3A_607 : vector<16xf32>
        %mul3A_624 = arith.mulf %add3A_623, %broadcast_in_dim3A_1 : vector<16xf32>
        %sub3A_625 = arith.subf %convert_element_type3A_102, %mul3A_622 : vector<16xf32>
        %abs3A_626 = math.absf %sub3A_625 : vector<16xf32>
        %sub3A_627 = arith.subf %convert_element_type3A_107, %mul3A_624 : vector<16xf32>
        %abs3A_628 = math.absf %sub3A_627 : vector<16xf32>
        %max3A_629 = arith.maximumf %abs3A_626, %abs3A_628 : vector<16xf32>
        %sub3A_630 = arith.subf %max3A_620, %convert_element_type3A_123 : vector<16xf32>
        %sub3A_631 = arith.subf %convert_element_type3A_125, %max3A_620 : vector<16xf32>
        %min3A_632 = arith.minimumf %min3A_617, %sub3A_630 : vector<16xf32>
        %sub3A_633 = arith.subf %convert_element_type3A_109, %max3A_629 : vector<16xf32>
        %min3A_634 = arith.minimumf %min3A_632, %sub3A_633 : vector<16xf32>
        %gt3A_635 = arith.constant 0.000000e+00 : f32
        %gt3A_636 = vector.broadcast %gt3A_635 : f32 to vector<16xf32>
        %gt3A_637 = arith.cmpf ogt, %min3A_634, %gt3A_636 : vector<16xf32>
        %select_n3A_638 = arith.select %gt3A_637, %sub3A_631, %broadcast_in_dim3A_3 : vector<16xi1>, vector<16xf32>
        %ge3A_639 = arith.constant 0.000000e+00 : f32
        %ge3A_640 = vector.broadcast %ge3A_639 : f32 to vector<16xf32>
        %ge3A_641 = arith.cmpf oge, %select_n3A_638, %ge3A_640 : vector<16xf32>
        %sub3A_642 = arith.subf %add3A_110, %max3A_629 : vector<16xf32>
        %min3A_643 = arith.minimumf %sub3A_631, %sub3A_642 : vector<16xf32>
        %sub3A_644 = arith.subf %max3A_629, %convert_element_type3A_109 : vector<16xf32>
        %min3A_645 = arith.minimumf %min3A_643, %sub3A_644 : vector<16xf32>
        %gt3A_646 = arith.constant 0.000000e+00 : f32
        %gt3A_647 = vector.broadcast %gt3A_646 : f32 to vector<16xf32>
        %gt3A_648 = arith.cmpf ogt, %min3A_632, %gt3A_647 : vector<16xf32>
        %select_n3A_649 = arith.select %gt3A_648, %min3A_645, %broadcast_in_dim3A_3 : vector<16xi1>, vector<16xf32>
        %ge3A_650 = arith.constant 0.000000e+00 : f32
        %ge3A_651 = vector.broadcast %ge3A_650 : f32 to vector<16xf32>
        %ge3A_652 = arith.cmpf oge, %select_n3A_649, %ge3A_651 : vector<16xf32>
        %add3A_653 = arith.addf %sub3A_611, %sub3A_613 : vector<16xf32>
        %add3A_654 = arith.addf %sub3A_612, %sub3A_614 : vector<16xf32>
        %mul3A_655 = arith.mulf %add3A_653, %add3A_654 : vector<16xf32>
        %select_n3A_656 = arith.select %ge3A_641, %mul3A_655, %broadcast_in_dim3A_5 : vector<16xi1>, vector<16xf32>
        %lt3A_657 = arith.cmpf olt, %select_n3A_656, %select_n3A_578 : vector<16xf32>
        %select_n3A_658 = arith.select %lt3A_657, %select_n3A_656, %select_n3A_578 : vector<16xi1>, vector<16xf32>
        %select_n3A_659 = arith.select %lt3A_657, %sub3A_611, %select_n3A_579 : vector<16xi1>, vector<16xf32>
        %select_n3A_660 = arith.select %lt3A_657, %sub3A_612, %select_n3A_580 : vector<16xi1>, vector<16xf32>
        %select_n3A_661 = arith.select %lt3A_657, %sub3A_613, %select_n3A_581 : vector<16xi1>, vector<16xf32>
        %select_n3A_662 = arith.select %lt3A_657, %sub3A_614, %select_n3A_582 : vector<16xi1>, vector<16xf32>
        %select_n3A_663 = arith.select %lt3A_657, %broadcast_in_dim3A_610, %select_n3A_583 : vector<16xi1>, vector<16xf32>
        %broadcast_in_dim3A_664 = arith.constant 1.000000e+00 : f32
        %broadcast_in_dim3A_665 = vector.broadcast %broadcast_in_dim3A_664 : f32 to vector<16xf32>
        %select_n3A_666 = arith.select %ge3A_641, %broadcast_in_dim3A_665, %select_n3A_586 : vector<16xi1>, vector<16xf32>
        %select_n3A_667 = arith.select %ge3A_652, %broadcast_in_dim3A_665, %select_n3A_587 : vector<16xi1>, vector<16xf32>
        scf.yield %select_n3A_658, %select_n3A_659, %select_n3A_660, %select_n3A_661, %select_n3A_662, %select_n3A_663, %select_n3A_666, %select_n3A_667 : vector<16xf32>, vector<16xf32>, vector<16xf32>, vector<16xf32>, vector<16xf32>, vector<16xf32>, vector<16xf32>, vector<16xf32>
      }
      %convert_element_type3A_183 = arith.fptosi %while3A_182#5 : vector<16xf32> to vector<16xi32>
      %gt3A = arith.constant 5.000000e-01 : f32
      %gt3A_184 = vector.broadcast %gt3A : f32 to vector<16xf32>
      %gt3A_185 = arith.cmpf ogt, %while3A_182#6, %gt3A_184 : vector<16xf32>
      %gt3A_186 = arith.constant 5.000000e-01 : f32
      %gt3A_187 = vector.broadcast %gt3A_186 : f32 to vector<16xf32>
      %gt3A_188 = arith.cmpf ogt, %while3A_182#7, %gt3A_187 : vector<16xf32>
      %min3A_189 = arith.minimumf %while3A_182#1, %while3A_182#3 : vector<16xf32>
      %max3A = arith.maximumf %while3A_182#1, %while3A_182#3 : vector<16xf32>
      %min3A_190 = arith.minimumf %while3A_182#2, %while3A_182#4 : vector<16xf32>
      %max3A_191 = arith.maximumf %while3A_182#2, %while3A_182#4 : vector<16xf32>
      %mul3A_192 = arith.mulf %min3A_189, %min3A_190 : vector<16xf32>
      %mul3A_193 = arith.mulf %max3A, %max3A_191 : vector<16xf32>
      %add3A_194 = arith.constant 1.000000e-10 : f32
      %add3A_195 = vector.broadcast %add3A_194 : f32 to vector<16xf32>
      %add3A_196 = arith.addf %mul3A_193, %add3A_195 : vector<16xf32>
      %div3A_197 = arith.divf %mul3A_192, %add3A_196 : vector<16xf32>
      %jit3A_198 = arith.constant 1.000000e+00 : f32
      %broadcast_in_dim3A_199 = vector.broadcast %jit3A_198 : f32 to vector<16xf32>
      %select_n3A_200 = arith.select %gt3A_185, %div3A_197, %broadcast_in_dim3A_199 : vector<16xi1>, vector<16xf32>
      %broadcast_in_dim3A_201 = arith.constant 1.000000e+00 : f32
      %broadcast_in_dim3A_202 = vector.broadcast %broadcast_in_dim3A_201 : f32 to vector<16xf32>
      %mul3A_203 = arith.constant 4.2949673E+9 : f32
      %mul3A_204 = vector.broadcast %mul3A_203 : f32 to vector<16xf32>
      %mul3A_205 = arith.mulf %select_n3A_200, %mul3A_204 : vector<16xf32>
      %lt3A = arith.constant 1.000000e+00 : f32
      %lt3A_206 = vector.broadcast %lt3A : f32 to vector<16xf32>
      %lt3A_207 = arith.cmpf olt, %mul3A_205, %lt3A_206 : vector<16xf32>
      %select_n3A_208 = arith.select %lt3A_207, %mul3A_205, %select_n3A_200 : vector<16xi1>, vector<16xf32>
      %mul3A_209 = arith.constant 1.52587891E-5 : f32
      %mul3A_210 = vector.broadcast %mul3A_209 : f32 to vector<16xf32>
      %mul3A_211 = arith.mulf %broadcast_in_dim3A_202, %mul3A_210 : vector<16xf32>
      %select_n3A_212 = arith.select %lt3A_207, %mul3A_211, %broadcast_in_dim3A_202 : vector<16xi1>, vector<16xf32>
      %mul3A_213 = arith.constant 6.553600e+04 : f32
      %mul3A_214 = vector.broadcast %mul3A_213 : f32 to vector<16xf32>
      %mul3A_215 = arith.mulf %select_n3A_208, %mul3A_214 : vector<16xf32>
      %lt3A_216 = arith.constant 1.000000e+00 : f32
      %lt3A_217 = vector.broadcast %lt3A_216 : f32 to vector<16xf32>
      %lt3A_218 = arith.cmpf olt, %mul3A_215, %lt3A_217 : vector<16xf32>
      %select_n3A_219 = arith.select %lt3A_218, %mul3A_215, %select_n3A_208 : vector<16xi1>, vector<16xf32>
      %mul3A_220 = arith.constant 3.906250e-03 : f32
      %mul3A_221 = vector.broadcast %mul3A_220 : f32 to vector<16xf32>
      %mul3A_222 = arith.mulf %select_n3A_212, %mul3A_221 : vector<16xf32>
      %select_n3A_223 = arith.select %lt3A_218, %mul3A_222, %select_n3A_212 : vector<16xi1>, vector<16xf32>
      %mul3A_224 = arith.constant 2.560000e+02 : f32
      %mul3A_225 = vector.broadcast %mul3A_224 : f32 to vector<16xf32>
      %mul3A_226 = arith.mulf %select_n3A_219, %mul3A_225 : vector<16xf32>
      %lt3A_227 = arith.constant 1.000000e+00 : f32
      %lt3A_228 = vector.broadcast %lt3A_227 : f32 to vector<16xf32>
      %lt3A_229 = arith.cmpf olt, %mul3A_226, %lt3A_228 : vector<16xf32>
      %select_n3A_230 = arith.select %lt3A_229, %mul3A_226, %select_n3A_219 : vector<16xi1>, vector<16xf32>
      %mul3A_231 = arith.constant 6.250000e-02 : f32
      %mul3A_232 = vector.broadcast %mul3A_231 : f32 to vector<16xf32>
      %mul3A_233 = arith.mulf %select_n3A_223, %mul3A_232 : vector<16xf32>
      %select_n3A_234 = arith.select %lt3A_229, %mul3A_233, %select_n3A_223 : vector<16xi1>, vector<16xf32>
      %mul3A_235 = arith.constant 1.600000e+01 : f32
      %mul3A_236 = vector.broadcast %mul3A_235 : f32 to vector<16xf32>
      %mul3A_237 = arith.mulf %select_n3A_230, %mul3A_236 : vector<16xf32>
      %lt3A_238 = arith.constant 1.000000e+00 : f32
      %lt3A_239 = vector.broadcast %lt3A_238 : f32 to vector<16xf32>
      %lt3A_240 = arith.cmpf olt, %mul3A_237, %lt3A_239 : vector<16xf32>
      %select_n3A_241 = arith.select %lt3A_240, %mul3A_237, %select_n3A_230 : vector<16xi1>, vector<16xf32>
      %mul3A_242 = arith.constant 2.500000e-01 : f32
      %mul3A_243 = vector.broadcast %mul3A_242 : f32 to vector<16xf32>
      %mul3A_244 = arith.mulf %select_n3A_234, %mul3A_243 : vector<16xf32>
      %select_n3A_245 = arith.select %lt3A_240, %mul3A_244, %select_n3A_234 : vector<16xi1>, vector<16xf32>
      %mul3A_246 = arith.constant 4.000000e+00 : f32
      %mul3A_247 = vector.broadcast %mul3A_246 : f32 to vector<16xf32>
      %mul3A_248 = arith.mulf %select_n3A_241, %mul3A_247 : vector<16xf32>
      %lt3A_249 = arith.constant 1.000000e+00 : f32
      %lt3A_250 = vector.broadcast %lt3A_249 : f32 to vector<16xf32>
      %lt3A_251 = arith.cmpf olt, %mul3A_248, %lt3A_250 : vector<16xf32>
      %select_n3A_252 = arith.select %lt3A_251, %mul3A_248, %select_n3A_241 : vector<16xi1>, vector<16xf32>
      %mul3A_253 = arith.constant 5.000000e-01 : f32
      %mul3A_254 = vector.broadcast %mul3A_253 : f32 to vector<16xf32>
      %mul3A_255 = arith.mulf %select_n3A_245, %mul3A_254 : vector<16xf32>
      %select_n3A_256 = arith.select %lt3A_251, %mul3A_255, %select_n3A_245 : vector<16xi1>, vector<16xf32>
      %add3A_257 = arith.constant 1.000000e+00 : f32
      %add3A_258 = vector.broadcast %add3A_257 : f32 to vector<16xf32>
      %add3A_259 = arith.addf %select_n3A_252, %add3A_258 : vector<16xf32>
      %mul3A_260 = arith.constant 5.000000e-01 : f32
      %mul3A_261 = vector.broadcast %mul3A_260 : f32 to vector<16xf32>
      %mul3A_262 = arith.mulf %add3A_259, %mul3A_261 : vector<16xf32>
      %div3A_263 = arith.divf %select_n3A_252, %mul3A_262 : vector<16xf32>
      %add3A_264 = arith.addf %mul3A_262, %div3A_263 : vector<16xf32>
      %mul3A_265 = arith.constant 5.000000e-01 : f32
      %mul3A_266 = vector.broadcast %mul3A_265 : f32 to vector<16xf32>
      %mul3A_267 = arith.mulf %add3A_264, %mul3A_266 : vector<16xf32>
      %div3A_268 = arith.divf %select_n3A_252, %mul3A_267 : vector<16xf32>
      %add3A_269 = arith.addf %mul3A_267, %div3A_268 : vector<16xf32>
      %mul3A_270 = arith.constant 5.000000e-01 : f32
      %mul3A_271 = vector.broadcast %mul3A_270 : f32 to vector<16xf32>
      %mul3A_272 = arith.mulf %add3A_269, %mul3A_271 : vector<16xf32>
      %div3A_273 = arith.divf %select_n3A_252, %mul3A_272 : vector<16xf32>
      %add3A_274 = arith.addf %mul3A_272, %div3A_273 : vector<16xf32>
      %mul3A_275 = arith.constant 5.000000e-01 : f32
      %mul3A_276 = vector.broadcast %mul3A_275 : f32 to vector<16xf32>
      %mul3A_277 = arith.mulf %add3A_274, %mul3A_276 : vector<16xf32>
      %mul3A_278 = arith.mulf %mul3A_277, %select_n3A_256 : vector<16xf32>
      %gt3A_279 = arith.constant 1.000000e-35 : f32
      %gt3A_280 = vector.broadcast %gt3A_279 : f32 to vector<16xf32>
      %gt3A_281 = arith.cmpf ogt, %select_n3A_200, %gt3A_280 : vector<16xf32>
      %broadcast_in_dim3A_282 = arith.constant 0.000000e+00 : f32
      %broadcast_in_dim3A_283 = vector.broadcast %broadcast_in_dim3A_282 : f32 to vector<16xf32>
      %select_n3A_284 = arith.select %gt3A_281, %mul3A_278, %broadcast_in_dim3A_283 : vector<16xi1>, vector<16xf32>
      %select_n3A_285 = arith.select %gt3A_185, %select_n3A_284, %broadcast_in_dim3A_3 : vector<16xi1>, vector<16xf32>
      %select_n3A_286 = arith.select %gt3A_188, %broadcast_in_dim3A_3, %select_n3A_285 : vector<16xi1>, vector<16xf32>
      %jit3A_287 = arith.constant 0 : i32
      %broadcast_in_dim3A_288 = vector.broadcast %jit3A_287 : i32 to vector<16xi32>
      %select_n3A_289 = arith.select %gt3A_185, %convert_element_type3A_183, %broadcast_in_dim3A_288 : vector<16xi1>, vector<16xi32>
      %jit3A_290 = arith.constant -1 : i32
      %broadcast_in_dim3A_291 = vector.broadcast %jit3A_290 : i32 to vector<16xi32>
      %select_n3A_292 = arith.select %gt3A_188, %broadcast_in_dim3A_291, %select_n3A_289 : vector<16xi1>, vector<16xi32>
      %mul3A_293 = arith.constant 16 : i32
      %mul3A_294 = arith.muli %scan3A_31, %mul3A_293 : i32
      %swap3A = arith.index_cast %mul3A_294 : i32 to index
      %swap3A_295 = tpu.vector_load %arg9[%swap3A] {strides = array<i32>} : memref<2736xi32, #tpu.memory_space<vmem>>, vector<16xi32>,
      %swap3A_296 = vector.shape_cast %swap3A_295 : vector<16xi32> to vector<16xi32>
      %swap3A_297 = vector.shape_cast %select_n3A_292 : vector<16xi32> to vector<16xi32>
      tpu.vector_store %arg9[%swap3A], %swap3A_297 {strides = array<i32>} : memref<2736xi32, #tpu.memory_space<vmem>>, vector<16xi32>,
      %swap3A_298 = arith.index_cast %mul3A_294 : i32 to index
      %swap3A_299 = tpu.vector_load %arg10[%swap3A_298] {strides = array<i32>} : memref<2736xf32, #tpu.memory_space<vmem>>, vector<16xf32>,
      %swap3A_300 = vector.shape_cast %swap3A_299 : vector<16xf32> to vector<16xf32>
      %swap3A_301 = vector.shape_cast %select_n3A_286 : vector<16xf32> to vector<16xf32>
      tpu.vector_store %arg10[%swap3A_298], %swap3A_301 {strides = array<i32>} : memref<2736xf32, #tpu.memory_space<vmem>>, vector<16xf32>,
      %mul3A_302 = arith.mulf %while3A_182#1, %div3A : vector<16xf32>
      %select_n3A_303 = arith.select %gt3A_185, %mul3A_302, %broadcast_in_dim3A_3 : vector<16xi1>, vector<16xf32>
      %swap3A_304 = arith.index_cast %mul3A_294 : i32 to index
      %swap3A_305 = tpu.vector_load %arg11[%swap3A_304] {strides = array<i32>} : memref<10944xf32, #tpu.memory_space<vmem>>, vector<16xf32>,
      %swap3A_306 = vector.shape_cast %swap3A_305 : vector<16xf32> to vector<16xf32>
      %swap3A_307 = vector.shape_cast %select_n3A_303 : vector<16xf32> to vector<16xf32>
      tpu.vector_store %arg11[%swap3A_304], %swap3A_307 {strides = array<i32>} : memref<10944xf32, #tpu.memory_space<vmem>>, vector<16xf32>,
      %mul3A_308 = arith.mulf %while3A_182#2, %div3A : vector<16xf32>
      %select_n3A_309 = arith.select %gt3A_185, %mul3A_308, %broadcast_in_dim3A_3 : vector<16xi1>, vector<16xf32>
      %add3A_310 = arith.constant 2736 : i32
      %add3A_311 = arith.addi %add3A_310, %mul3A_294 : i32
      %swap3A_312 = arith.index_cast %add3A_311 : i32 to index
      %swap3A_313 = tpu.vector_load %arg11[%swap3A_312] {strides = array<i32>} : memref<10944xf32, #tpu.memory_space<vmem>>, vector<16xf32>,
      %swap3A_314 = vector.shape_cast %swap3A_313 : vector<16xf32> to vector<16xf32>
      %swap3A_315 = vector.shape_cast %select_n3A_309 : vector<16xf32> to vector<16xf32>
      tpu.vector_store %arg11[%swap3A_312], %swap3A_315 {strides = array<i32>} : memref<10944xf32, #tpu.memory_space<vmem>>, vector<16xf32>,
      %mul3A_316 = arith.mulf %while3A_182#3, %div3A : vector<16xf32>
      %select_n3A_317 = arith.select %gt3A_185, %mul3A_316, %broadcast_in_dim3A_3 : vector<16xi1>, vector<16xf32>
      %add3A_318 = arith.constant 5472 : i32
      %add3A_319 = arith.addi %add3A_318, %mul3A_294 : i32
      %swap3A_320 = arith.index_cast %add3A_319 : i32 to index
      %swap3A_321 = tpu.vector_load %arg11[%swap3A_320] {strides = array<i32>} : memref<10944xf32, #tpu.memory_space<vmem>>, vector<16xf32>,
      %swap3A_322 = vector.shape_cast %swap3A_321 : vector<16xf32> to vector<16xf32>
      %swap3A_323 = vector.shape_cast %select_n3A_317 : vector<16xf32> to vector<16xf32>
      tpu.vector_store %arg11[%swap3A_320], %swap3A_323 {strides = array<i32>} : memref<10944xf32, #tpu.memory_space<vmem>>, vector<16xf32>,
      %mul3A_324 = arith.mulf %while3A_182#4, %div3A : vector<16xf32>
      %select_n3A_325 = arith.select %gt3A_185, %mul3A_324, %broadcast_in_dim3A_3 : vector<16xi1>, vector<16xf32>
      %add3A_326 = arith.constant 8208 : i32
      %add3A_327 = arith.addi %add3A_326, %mul3A_294 : i32
      %swap3A_328 = arith.index_cast %add3A_327 : i32 to index
      %swap3A_329 = tpu.vector_load %arg11[%swap3A_328] {strides = array<i32>} : memref<10944xf32, #tpu.memory_space<vmem>>, vector<16xf32>,
      %swap3A_330 = vector.shape_cast %swap3A_329 : vector<16xf32> to vector<16xf32>
      %swap3A_331 = vector.shape_cast %select_n3A_325 : vector<16xf32> to vector<16xf32>
      tpu.vector_store %arg11[%swap3A_328], %swap3A_331 {strides = array<i32>} : memref<10944xf32, #tpu.memory_space<vmem>>, vector<16xf32>,
    }
    %scan3A_10 = arith.constant 171 : i32
    %mul3A_11 = arith.constant 2736 : i32
    %mul3A_12 = arith.muli %add3A, %mul3A_11 : i32
    "tpu.region"() ({
      %run_scoped3A = tpu.sem_alloc : memref<!tpu.dma_semaphore, #tpu.memory_space<semaphore_mem>>
      %dma_start3A = tpu.memref_slice %arg4[%mul3A_12] : memref<87552xi32, #tpu.memory_space<hbm>> -> memref<2736xi32, #tpu.memory_space<hbm>>
      %dma_start3A_31 = tpu.memref_slice %arg4[%mul3A_12] : memref<87552xi32, #tpu.memory_space<hbm>> -> memref<2736xi32, #tpu.memory_space<hbm>>
      tpu.enqueue_dma source(%arg9 : memref<2736xi32, #tpu.memory_space<vmem>>) target(%dma_start3A_31 : memref<2736xi32, #tpu.memory_space<hbm>>) target_semaphore(%run_scoped3A : memref<!tpu.dma_semaphore, #tpu.memory_space<semaphore_mem>>)
      %dma_wait3A = tpu.memref_slice %arg4[%mul3A_12] : memref<87552xi32, #tpu.memory_space<hbm>> -> memref<2736xi32, #tpu.memory_space<hbm>>
      %dma_wait3A_32 = tpu.memref_slice %arg4[%mul3A_12] : memref<87552xi32, #tpu.memory_space<hbm>> -> memref<2736xi32, #tpu.memory_space<hbm>>
      tpu.wait_dma2 semaphore(%run_scoped3A : memref<!tpu.dma_semaphore, #tpu.memory_space<semaphore_mem>>) src(%arg9 : memref<2736xi32, #tpu.memory_space<vmem>>) dst(%dma_wait3A_32 : memref<2736xi32, #tpu.memory_space<hbm>>)
      tpu.yield
    }) : () -> ()
    %mul3A_13 = arith.constant 2736 : i32
    %mul3A_14 = arith.muli %add3A, %mul3A_13 : i32
    "tpu.region"() ({
      %run_scoped3A = tpu.sem_alloc : memref<!tpu.dma_semaphore, #tpu.memory_space<semaphore_mem>>
      %dma_start3A = tpu.memref_slice %arg5[%mul3A_14] : memref<87552xf32, #tpu.memory_space<hbm>> -> memref<2736xf32, #tpu.memory_space<hbm>>
      %dma_start3A_31 = tpu.memref_slice %arg5[%mul3A_14] : memref<87552xf32, #tpu.memory_space<hbm>> -> memref<2736xf32, #tpu.memory_space<hbm>>
      tpu.enqueue_dma source(%arg10 : memref<2736xf32, #tpu.memory_space<vmem>>) target(%dma_start3A_31 : memref<2736xf32, #tpu.memory_space<hbm>>) target_semaphore(%run_scoped3A : memref<!tpu.dma_semaphore, #tpu.memory_space<semaphore_mem>>)
      %dma_wait3A = tpu.memref_slice %arg5[%mul3A_14] : memref<87552xf32, #tpu.memory_space<hbm>> -> memref<2736xf32, #tpu.memory_space<hbm>>
      %dma_wait3A_32 = tpu.memref_slice %arg5[%mul3A_14] : memref<87552xf32, #tpu.memory_space<hbm>> -> memref<2736xf32, #tpu.memory_space<hbm>>
      tpu.wait_dma2 semaphore(%run_scoped3A : memref<!tpu.dma_semaphore, #tpu.memory_space<semaphore_mem>>) src(%arg10 : memref<2736xf32, #tpu.memory_space<vmem>>) dst(%dma_wait3A_32 : memref<2736xf32, #tpu.memory_space<hbm>>)
      tpu.yield
    }) : () -> ()
    %mul3A_15 = arith.constant 2736 : i32
    %mul3A_16 = arith.muli %add3A, %mul3A_15 : i32
    %add3A_17 = arith.constant 0 : i32
    %add3A_18 = arith.addi %add3A_17, %mul3A_16 : i32
    "tpu.region"() ({
      %run_scoped3A = tpu.sem_alloc : memref<!tpu.dma_semaphore, #tpu.memory_space<semaphore_mem>>
      %dma_start3A = arith.constant 0 : i32
      %dma_start3A_31 = tpu.memref_slice %arg11[%dma_start3A] : memref<10944xf32, #tpu.memory_space<vmem>> -> memref<2736xf32, #tpu.memory_space<vmem>>
      %dma_start3A_32 = tpu.memref_slice %arg6[%add3A_18] : memref<350208xf32, #tpu.memory_space<hbm>> -> memref<2736xf32, #tpu.memory_space<hbm>>
      %dma_start3A_33 = tpu.memref_slice %arg6[%add3A_18] : memref<350208xf32, #tpu.memory_space<hbm>> -> memref<2736xf32, #tpu.memory_space<hbm>>
      %dma_start3A_34 = arith.constant 0 : i32
      %dma_start3A_35 = tpu.memref_slice %arg11[%dma_start3A_34] : memref<10944xf32, #tpu.memory_space<vmem>> -> memref<2736xf32, #tpu.memory_space<vmem>>
      tpu.enqueue_dma source(%dma_start3A_35 : memref<2736xf32, #tpu.memory_space<vmem>>) target(%dma_start3A_33 : memref<2736xf32, #tpu.memory_space<hbm>>) target_semaphore(%run_scoped3A : memref<!tpu.dma_semaphore, #tpu.memory_space<semaphore_mem>>)
      %dma_wait3A = arith.constant 0 : i32
      %dma_wait3A_36 = tpu.memref_slice %arg11[%dma_wait3A] : memref<10944xf32, #tpu.memory_space<vmem>> -> memref<2736xf32, #tpu.memory_space<vmem>>
      %dma_wait3A_37 = tpu.memref_slice %arg6[%add3A_18] : memref<350208xf32, #tpu.memory_space<hbm>> -> memref<2736xf32, #tpu.memory_space<hbm>>
      %dma_wait3A_38 = tpu.memref_slice %arg6[%add3A_18] : memref<350208xf32, #tpu.memory_space<hbm>> -> memref<2736xf32, #tpu.memory_space<hbm>>
      %dma_wait3A_39 = arith.constant 0 : i32
      %dma_wait3A_40 = tpu.memref_slice %arg11[%dma_wait3A_39] : memref<10944xf32, #tpu.memory_space<vmem>> -> memref<2736xf32, #tpu.memory_space<vmem>>
      tpu.wait_dma2 semaphore(%run_scoped3A : memref<!tpu.dma_semaphore, #tpu.memory_space<semaphore_mem>>) src(%dma_wait3A_40 : memref<2736xf32, #tpu.memory_space<vmem>>) dst(%dma_wait3A_38 : memref<2736xf32, #tpu.memory_space<hbm>>)
      tpu.yield
    }) : () -> ()
    %mul3A_19 = arith.constant 2736 : i32
    %mul3A_20 = arith.muli %add3A, %mul3A_19 : i32
    %add3A_21 = arith.constant 87552 : i32
    %add3A_22 = arith.addi %add3A_21, %mul3A_20 : i32
    "tpu.region"() ({
      %run_scoped3A = tpu.sem_alloc : memref<!tpu.dma_semaphore, #tpu.memory_space<semaphore_mem>>
      %dma_start3A = arith.constant 2736 : i32
      %dma_start3A_31 = tpu.memref_slice %arg11[%dma_start3A] : memref<10944xf32, #tpu.memory_space<vmem>> -> memref<2736xf32, #tpu.memory_space<vmem>>
      %dma_start3A_32 = tpu.memref_slice %arg6[%add3A_22] : memref<350208xf32, #tpu.memory_space<hbm>> -> memref<2736xf32, #tpu.memory_space<hbm>>
      %dma_start3A_33 = tpu.memref_slice %arg6[%add3A_22] : memref<350208xf32, #tpu.memory_space<hbm>> -> memref<2736xf32, #tpu.memory_space<hbm>>
      %dma_start3A_34 = arith.constant 2736 : i32
      %dma_start3A_35 = tpu.memref_slice %arg11[%dma_start3A_34] : memref<10944xf32, #tpu.memory_space<vmem>> -> memref<2736xf32, #tpu.memory_space<vmem>>
      tpu.enqueue_dma source(%dma_start3A_35 : memref<2736xf32, #tpu.memory_space<vmem>>) target(%dma_start3A_33 : memref<2736xf32, #tpu.memory_space<hbm>>) target_semaphore(%run_scoped3A : memref<!tpu.dma_semaphore, #tpu.memory_space<semaphore_mem>>)
      %dma_wait3A = arith.constant 2736 : i32
      %dma_wait3A_36 = tpu.memref_slice %arg11[%dma_wait3A] : memref<10944xf32, #tpu.memory_space<vmem>> -> memref<2736xf32, #tpu.memory_space<vmem>>
      %dma_wait3A_37 = tpu.memref_slice %arg6[%add3A_22] : memref<350208xf32, #tpu.memory_space<hbm>> -> memref<2736xf32, #tpu.memory_space<hbm>>
      %dma_wait3A_38 = tpu.memref_slice %arg6[%add3A_22] : memref<350208xf32, #tpu.memory_space<hbm>> -> memref<2736xf32, #tpu.memory_space<hbm>>
      %dma_wait3A_39 = arith.constant 2736 : i32
      %dma_wait3A_40 = tpu.memref_slice %arg11[%dma_wait3A_39] : memref<10944xf32, #tpu.memory_space<vmem>> -> memref<2736xf32, #tpu.memory_space<vmem>>
      tpu.wait_dma2 semaphore(%run_scoped3A : memref<!tpu.dma_semaphore, #tpu.memory_space<semaphore_mem>>) src(%dma_wait3A_40 : memref<2736xf32, #tpu.memory_space<vmem>>) dst(%dma_wait3A_38 : memref<2736xf32, #tpu.memory_space<hbm>>)
      tpu.yield
    }) : () -> ()
    %mul3A_23 = arith.constant 2736 : i32
    %mul3A_24 = arith.muli %add3A, %mul3A_23 : i32
    %add3A_25 = arith.constant 175104 : i32
    %add3A_26 = arith.addi %add3A_25, %mul3A_24 : i32
    "tpu.region"() ({
      %run_scoped3A = tpu.sem_alloc : memref<!tpu.dma_semaphore, #tpu.memory_space<semaphore_mem>>
      %dma_start3A = arith.constant 5472 : i32
      %dma_start3A_31 = tpu.memref_slice %arg11[%dma_start3A] : memref<10944xf32, #tpu.memory_space<vmem>> -> memref<2736xf32, #tpu.memory_space<vmem>>
      %dma_start3A_32 = tpu.memref_slice %arg6[%add3A_26] : memref<350208xf32, #tpu.memory_space<hbm>> -> memref<2736xf32, #tpu.memory_space<hbm>>
      %dma_start3A_33 = tpu.memref_slice %arg6[%add3A_26] : memref<350208xf32, #tpu.memory_space<hbm>> -> memref<2736xf32, #tpu.memory_space<hbm>>
      %dma_start3A_34 = arith.constant 5472 : i32
      %dma_start3A_35 = tpu.memref_slice %arg11[%dma_start3A_34] : memref<10944xf32, #tpu.memory_space<vmem>> -> memref<2736xf32, #tpu.memory_space<vmem>>
      tpu.enqueue_dma source(%dma_start3A_35 : memref<2736xf32, #tpu.memory_space<vmem>>) target(%dma_start3A_33 : memref<2736xf32, #tpu.memory_space<hbm>>) target_semaphore(%run_scoped3A : memref<!tpu.dma_semaphore, #tpu.memory_space<semaphore_mem>>)
      %dma_wait3A = arith.constant 5472 : i32
      %dma_wait3A_36 = tpu.memref_slice %arg11[%dma_wait3A] : memref<10944xf32, #tpu.memory_space<vmem>> -> memref<2736xf32, #tpu.memory_space<vmem>>
      %dma_wait3A_37 = tpu.memref_slice %arg6[%add3A_26] : memref<350208xf32, #tpu.memory_space<hbm>> -> memref<2736xf32, #tpu.memory_space<hbm>>
      %dma_wait3A_38 = tpu.memref_slice %arg6[%add3A_26] : memref<350208xf32, #tpu.memory_space<hbm>> -> memref<2736xf32, #tpu.memory_space<hbm>>
      %dma_wait3A_39 = arith.constant 5472 : i32
      %dma_wait3A_40 = tpu.memref_slice %arg11[%dma_wait3A_39] : memref<10944xf32, #tpu.memory_space<vmem>> -> memref<2736xf32, #tpu.memory_space<vmem>>
      tpu.wait_dma2 semaphore(%run_scoped3A : memref<!tpu.dma_semaphore, #tpu.memory_space<semaphore_mem>>) src(%dma_wait3A_40 : memref<2736xf32, #tpu.memory_space<vmem>>) dst(%dma_wait3A_38 : memref<2736xf32, #tpu.memory_space<hbm>>)
      tpu.yield
    }) : () -> ()
    %mul3A_27 = arith.constant 2736 : i32
    %mul3A_28 = arith.muli %add3A, %mul3A_27 : i32
    %add3A_29 = arith.constant 262656 : i32
    %add3A_30 = arith.addi %add3A_29, %mul3A_28 : i32
    "tpu.region"() ({
      %run_scoped3A = tpu.sem_alloc : memref<!tpu.dma_semaphore, #tpu.memory_space<semaphore_mem>>
      %dma_start3A = arith.constant 8208 : i32
      %dma_start3A_31 = tpu.memref_slice %arg11[%dma_start3A] : memref<10944xf32, #tpu.memory_space<vmem>> -> memref<2736xf32, #tpu.memory_space<vmem>>
      %dma_start3A_32 = tpu.memref_slice %arg6[%add3A_30] : memref<350208xf32, #tpu.memory_space<hbm>> -> memref<2736xf32, #tpu.memory_space<hbm>>
      %dma_start3A_33 = tpu.memref_slice %arg6[%add3A_30] : memref<350208xf32, #tpu.memory_space<hbm>> -> memref<2736xf32, #tpu.memory_space<hbm>>
      %dma_start3A_34 = arith.constant 8208 : i32
      %dma_start3A_35 = tpu.memref_slice %arg11[%dma_start3A_34] : memref<10944xf32, #tpu.memory_space<vmem>> -> memref<2736xf32, #tpu.memory_space<vmem>>
      tpu.enqueue_dma source(%dma_start3A_35 : memref<2736xf32, #tpu.memory_space<vmem>>) target(%dma_start3A_33 : memref<2736xf32, #tpu.memory_space<hbm>>) target_semaphore(%run_scoped3A : memref<!tpu.dma_semaphore, #tpu.memory_space<semaphore_mem>>)
      %dma_wait3A = arith.constant 8208 : i32
      %dma_wait3A_36 = tpu.memref_slice %arg11[%dma_wait3A] : memref<10944xf32, #tpu.memory_space<vmem>> -> memref<2736xf32, #tpu.memory_space<vmem>>
      %dma_wait3A_37 = tpu.memref_slice %arg6[%add3A_30] : memref<350208xf32, #tpu.memory_space<hbm>> -> memref<2736xf32, #tpu.memory_space<hbm>>
      %dma_wait3A_38 = tpu.memref_slice %arg6[%add3A_30] : memref<350208xf32, #tpu.memory_space<hbm>> -> memref<2736xf32, #tpu.memory_space<hbm>>
      %dma_wait3A_39 = arith.constant 8208 : i32
      %dma_wait3A_40 = tpu.memref_slice %arg11[%dma_wait3A_39] : memref<10944xf32, #tpu.memory_space<vmem>> -> memref<2736xf32, #tpu.memory_space<vmem>>
      tpu.wait_dma2 semaphore(%run_scoped3A : memref<!tpu.dma_semaphore, #tpu.memory_space<semaphore_mem>>) src(%dma_wait3A_40 : memref<2736xf32, #tpu.memory_space<vmem>>) dst(%dma_wait3A_38 : memref<2736xf32, #tpu.memory_space<hbm>>)
      tpu.yield
    }) : () -> ()
    return
  }
}

</mosaic_0001>

<sc_bundles>
// kernel: kernel.3.cloned.1.call-start
scs
__scs_entry_jumppad:
0x0: {  	(pc) =	sbr.rel $0x88, $3  }
0x1: {  	(tag) =	ssettag $0x0;
	lr =	simm.s32 $0x1  }
0x2: {  	[smem:$0x3F9F] =	sst lr;
	_ =	strace $0xD0000000  }
0x3: {  	_ = 	snop  }
0x4: {  	_ = 	snop  }
0x5: {  	_ = 	snop  }
0x6: {  	_ = 	snop  }
0x7: {  	_ = 	snop  }
__scs_overlays_trampoline_lowered:
0x8: {  	[smem:$0x3FAE] =	sst s0  }
0x9: {  	[smem:$0x3FAF] =	sst s1  }
0xa: {  	[smem:$0x3FB0] =	sst s2  }
0xb: {  	[smem:$0x3FB1] =	sst s3  }
0xc: {  	[smem:$0x3FB2] =	sst s4  }
0xd: {  	[smem:$0x3FB3] =	sst s5  }
0xe: {  	[smem:$0x3FB4] =	sst s6  }
0xf: {  	[smem:$0x3FB5] =	sst s7  }
0x10: {  	[smem:$0x3FB6] =	sst s8  }
0x11: {  	[smem:$0x3FB7] =	sst s9;
	s0 =	simm.s32 @!p0 $0x0  }
0x12: {  	s1 =	sld [smem:$0x3F9D];
	s0 =	simm.s32 @p0 $0x1  }
0x13: {  	[smem:$0x3FB8] =	sst s0;
	s0 =	simm.s32 @!p1 $0x0  }
0x14: {  	s2 =	sld [smem:$0x3F9C];
	s0 =	simm.s32 @p1 $0x1  }
0x15: {  	[smem:$0x3FB9] =	sst s0;
	s0 =	simm.s32 @!p2 $0x0  }
0x16: {  	s3 =	sld [smem:$0x3FDB];
	s0 =	simm.s32 @p2 $0x1  }
0x17: {  	s4 =	simm.s32 $0x1BF5;
	[smem:$0x3FBB] =	sst s0  }
0x18: {  	s0 =	sld [smem:$0x3F9E];
	_ =	swait.ge [sflag:s4], $0x0  }
0x19: {  	s7 =	sld [smem:$0x3F9F]  }
0x1a: {  	s8 =	sadd.s32 $0xFFFFE003, lr  }
0x1b: {  	s9 =	sadd.s32 $0xFFFFFEF7, lr;
	s5 =	simm.s32 $0xFFFFFFFF;
	p2 =	slt.u32 s8, $0xFFFFF086  }
0x1c: {  	p1 =	slt.u32 s9, $0xF7A;
	s5 =	simm.s32 @!p2 $0x0  }
0x1d: {  	s5 =	simm.s32 @p1 $0x1;
	p0 =	seq.s32 s7, s2  }
0x1e: {  	s7 =	smul.u32 @!p0 $0xF7A, s2;
	p2 =	seq.s32 @!p0 s5, $0x0  }
0x1f: {  	s9 =	smul.u32 $0xF7A, s1;
	s8 =	simm.s32 @!p0 $0x1BF5;
	p2 =	por !p2, p0  }
0x20: {  	[sflag:s8] =	ssyncset.s32 @!p0 $0xFFFFF086;
	s6 =	sadd.s32 @!p0 s3, s7;
	s7 =	simm.s32 @!p0 $0x108  }
0x21: {  	s3 =	sadd.s32 s3, s9;
	s6 =	sadd.s32 @!p0 $0x88, s6;
	s7 =	simm.s32 @p2 $0x1082  }
0x22: {  	[simem:s7], [sflag:s8] =	dma.local @!p0 [hbm:s6], $0xF7A  }
0x23: {  	s9 =	sor.u32 $0xD0000000, s2;
	s6 =	simm.s32 $0x108;
	_ =	swait.ge @!p0 [sflag:s8], $0x0  }
0x24: {  	s3 =	sadd.s32 $0x88, s3;
	s6 =	simm.s32 @!p1 $0x1082;
	[sflag:s4] =	ssyncset.s32 $0xFFFFF086  }
0x25: {  	[simem:s6], [sflag:s4] =	dma.local [hbm:s3], $0xF7A  }
0x26: {  	[smem:$0x3F9F] =	sst s1;
	(tag) =	ssettag s2;
	_ =	strace s9  }
0x27: {  	s1 =	sld [smem:$0x3FAF]  }
0x28: {  	s2 =	sld [smem:$0x3FB0]  }
0x29: {  	s4 =	sld [smem:$0x3FB2]  }
0x2a: {  	p0 =	seq.s32 s5, $0x0;
	s5 =	sld [smem:$0x3FB3]  }
0x2b: {  	s6 =	sld [smem:$0x3FB4]  }
0x2c: {  	s7 =	sld [smem:$0x3FB5]  }
0x2d: {  	s3 =	simm.s32 $0x108;
	s8 =	sld [smem:$0x3FB6]  }
0x2e: {  	s3 =	simm.s32 @!p0 $0x1082;
	s9 =	sld [smem:$0x3FB7]  }
0x2f: {  	lr =	sadd.s32 s0, s3;
	s0 =	sld [smem:$0x3FAE]  }
0x30: {  	s3 =	sld [smem:$0x3FB1]  }
0x31: {  	[smem:$0x3FBA] =	sst s10  }
0x32: {  	s10 =	sld [smem:$0x3FB8];
	_ =	sdelay $0x3  }
0x33: {  	p0 =	seq.s32 s10, $0x1;
	s10 =	sld [smem:$0x3FBA];
	_ =	sdelay $0x3  }
0x34: {  	[smem:$0x3FBA] =	sst s10  }
0x35: {  	s10 =	sld [smem:$0x3FB9];
	_ =	sdelay $0x3  }
0x36: {  	p1 =	seq.s32 s10, $0x1;
	s10 =	sld [smem:$0x3FBA];
	_ =	sdelay $0x3  }
0x37: {  	[smem:$0x3FBA] =	sst s10  }
0x38: {  	s10 =	sld [smem:$0x3FBB]  }
0x39: {  	_ = 	snop;
	(pc) =	sbr.ind lr, $3  }
0x3a: {  	_ = 	snop  }
0x3b: {  	_ = 	snop  }
0x3c: {  	p2 =	seq.s32 s10, $0x1;
	s10 =	sld [smem:$0x3FBA]  }
0x3d: {  	_ =	shalt  }
0x3e: {  	_ =	shalt  }
0x3f: {  	_ =	shalt  }
0x40: {  	_ =	shalt  }
0x41: {  	_ =	shalt  }
0x42: {  	_ =	shalt  }
0x43: {  	_ =	shalt  }
0x44: {  	_ =	shalt  }
0x45: {  	_ =	shalt  }
0x46: {  	_ =	shalt  }
0x47: {  	_ =	shalt  }
0x48: {  	_ =	shalt  }
0x49: {  	_ =	shalt  }
0x4a: {  	_ =	shalt  }
0x4b: {  	_ =	shalt  }
0x4c: {  	_ =	shalt  }
0x4d: {  	_ =	shalt  }
0x4e: {  	_ =	shalt  }
0x4f: {  	_ =	shalt  }
0x50: {  	_ =	shalt  }
0x51: {  	_ =	shalt  }
0x52: {  	_ =	shalt  }
0x53: {  	_ =	shalt  }
0x54: {  	_ =	shalt  }
0x55: {  	_ =	shalt  }
0x56: {  	_ =	shalt  }
0x57: {  	_ =	shalt  }
0x58: {  	_ =	shalt  }
0x59: {  	_ =	shalt  }
0x5a: {  	_ =	shalt  }
0x5b: {  	_ =	shalt  }
0x5c: {  	_ =	shalt  }
0x5d: {  	_ =	shalt  }
0x5e: {  	_ =	shalt  }
0x5f: {  	_ =	shalt  }
0x60: {  	_ =	shalt  }
0x61: {  	_ =	shalt  }
0x62: {  	_ =	shalt  }
0x63: {  	_ =	shalt  }
0x64: {  	_ =	shalt  }
0x65: {  	_ =	shalt  }
0x66: {  	_ =	shalt  }
0x67: {  	_ =	shalt  }
0x68: {  	_ =	shalt  }
0x69: {  	_ =	shalt  }
0x6a: {  	_ =	shalt  }
0x6b: {  	_ =	shalt  }
0x6c: {  	_ =	shalt  }
0x6d: {  	_ =	shalt  }
0x6e: {  	_ =	shalt  }
0x6f: {  	_ =	shalt  }
0x70: {  	_ =	shalt  }
0x71: {  	_ =	shalt  }
0x72: {  	_ =	shalt  }
0x73: {  	_ =	shalt  }
0x74: {  	_ =	shalt  }
0x75: {  	_ =	shalt  }
0x76: {  	_ =	shalt  }
0x77: {  	_ =	shalt  }
0x78: {  	_ =	shalt  }
0x79: {  	_ =	shalt  }
0x7a: {  	_ =	shalt  }
0x7b: {  	_ =	shalt  }
0x7c: {  	_ =	shalt  }
0x7d: {  	_ =	shalt  }
0x7e: {  	_ =	shalt  }
0x7f: {  	_ =	shalt  }
0x80: {  	_ =	shalt  }
0x81: {  	_ =	shalt  }
0x82: {  	_ =	shalt  }
0x83: {  	_ =	shalt  }
0x84: {  	_ =	shalt  }
0x85: {  	_ =	shalt  }
0x86: {  	_ =	shalt  }
0x87: {  	_ =	shalt  }
.Lfunc_end0:
.L_simem_size_0:
called_computation_lowered:
.L_overlay_start_0:
0x88: {  	s2 =	sld [smem:$0x3FD9]  }
0x89: {  	s3 =	sld [smem:$0x3FFE];
	_ =	sdelay $0x1  }
0x8a: {  	s1 =	srdreg.scid  }
0x8b: {  	s0 =	sand.u32 $0x1, s1  }
0x8c: {  	s14 =	sshll.u32 s0, $0xA;
	s2 =	sadd.s32 s3, s2  }
0x8d: {  	s2 =	sadd.s32 s2, s14  }
0x8e: {  	[smem:$0x3FC6] =	sst s2  }
0x8f: {  	_ = 	snop  }
0x90: {  	s2 =	sld [smem:$0x3FD0];
	_ =	sdelay $0x2  }
0x91: {  	s15 =	simm.s32 $0xA;
	s4 =	simm.s32 $0x10  }
0x92: {  	[smem:s4], [sflag:s15] =	dma.local [hbm:s2], $0x1  }
0x93: {  	_ =	swait.eq [sflag:s15], $0x1  }
0x94: {  	s16 =	sld [smem:$0x12];
	[sflag:s15] =	ssyncset.done $0x0  }
0x95: {  	s17 =	sld [smem:$0x13];
	[sflag:s15] =	ssyncadd.s32 $0xFFFFFFFF  }
0x96: {  	s18 =	sld [smem:$0x16];
	(tm) =	ssettm $0x1  }
0x97: {  	s5 =	sld [smem:$0x3FFB];
	_ =	sdelay $0x3  }
0x98: {  	_ =	strace s5  }
0x99: {  	s5 =	sld [smem:$0x3FFC];
	_ =	sdelay $0x3  }
0x9a: {  	_ =	strace s5  }
0x9b: {  	s5 =	sld [smem:$0x3FFD];
	_ =	sdelay $0x3  }
0x9c: {  	_ =	strace s5  }
0x9d: {  	_ =	strace $0x8FFFFFFF  }
0x9e: {  	s19 =	sld [smem:$0x3FDB];
	_ =	sdelay $0x1  }
0x9f: {  	s6 =	simm.s32 $_scs_section_size  }
0xa0: {  	s7 =	simm.s32 $_size__tile_overlayer_lowered;
	s8 =	simm.s32 $_tile_overlayer_lowered  }
0xa1: {  	s22 =	simm.s32 $0x1BFF;
	s21 =	sshll.u32 s8, $0x1;
	s5 =	sadd.s32 s6, s19  }
0xa2: {  	s9 =	simm.s32 $0x0;
	s20 =	sshll.u32 s7, $0x1;
	s7 =	sadd.s32 s21, s5  }
0xa3: {  	[timem:s9], [sflag:s22] =	dma.local [hbm:s7], s20  }
0xa4: {  	_ =	swait.ge [sflag:s22], s20  }
0xa5: {  	s6 =	ssub.s32 $0x0, s20;
	[sflag:s22] =	ssyncset.done $0x0  }
0xa6: {  	[sflag:s22] =	ssyncadd.s32 s6;
	_ =	sdelay $0x1  }
0xa7: {  	s23 =	simm.s32 $0x1B8B  }
0xa8: {  	_ =	swait.ge [sflag:s23], $0x1  }
0xa9: {  	[sflag:s23] =	ssyncset.done $0x0  }
0xaa: {  	s25 =	simm.s32 $0x1B8E;
	s24 =	sld [smem:$0x3FFE];
	[sflag:s23] =	ssyncadd.s32 $0xFFFFFFFF  }
0xab: {  	s26 =	simm.s32 $execute0_lowered;
	[smem:$0x3FD2] =	sst s25  }
0xac: {  	s7 =	sshll.u32 s26, $0x1;
	_ =	strace $0x80000046;
	[dreg:$0x1] =	wrdreg $0xFFFFFFFF  }
0xad: {  	s28 =	simm.s32 $_size_execute0_lowered;
	s5 =	sadd.s32 s5, s7;
	[dreg:$0x0] =	wrdreg $0x0  }
0xae: {  	s7 =	sshll.u32 s28, $0x1;
	[dreg:$0x2] =	wrdreg s5  }
0xaf: {  	[dreg:$0x3] =	wrdreg s7  }
0xb0: {  	[dreg:$0x4] =	wrdreg $0xC0  }
0xb1: {  	_ =	task [dreg:s9], $0x5FFFF  }
0xb2: {  	[dreg:$0x1] =	wrdreg $0xFFFFFFFF  }
0xb3: {  	[dreg:$0x0] =	wrdreg $0x60  }
0xb4: {  	[dreg:$0x2] =	wrdreg s18  }
0xb5: {  	[dreg:$0x3] =	wrdreg s17  }
0xb6: {  	[dreg:$0x4] =	wrdreg s16  }
0xb7: {  	[dreg:$0x5] =	wrdreg s24  }
0xb8: {  	[dreg:$0x6] =	wrdreg $0x9  }
0xb9: {  	_ =	task.clear_ibuf [dreg:s9], $0x7FFFF;
	_ =	strace $0x90000046  }
0xba: {  	s29 =	simm.s32 $0x9;
	_ =	strace $0x80000048  }
0xbb: {  	_ =	swait.ge [sflag:s29], $0x1  }
0xbc: {  	[sflag:s29] =	ssyncadd.s32 $0xFFFFFFFF  }
0xbd: {  	_ =	strace $0x90000048  }
0xbe: {  	_ =	sfence  }
0xbf: {  	s30 =	sld [smem:$0x0];
	_ =	sdelay $0x2  }
0xc0: {  	s31 =	sshll.u32 s1, $0xD;
	s1 =	sshrl.u32 s1, $0x2  }
0xc1: {  	s3 =	sand.u32 $0x4000, s31;
	s1 =	sadd.s32 s1, s30  }
0xc2: {  	s0 =	sor.u32 s3, s0;
	s1 =	sshll.u32 s1, $0x11  }
0xc3: {  	s0 =	sor.u32 s1, s0  }
0xc4: {  	s0 =	sadd.s32 $0x8F2B, s0  }
0xc5: {  	[sflag:s0] =	ssyncadd.remote.s32 $0x1  }
0xc6: {  	_ =	sfence.sel $0xFFFF  }
0xc7: {  	[dreg:$0x0] =	wrdreg $0xFFFFFFFF;
	(pc) =	sbr.abs _section_cstart, $3  }
0xc8: {  	[dreg:$0x1] =	wrdreg $0xFFFFFFFF  }
0xc9: {  	_ =	task.clear_ibuf [dreg:s9], $0x2FFFF;
	_ =	strace $0x9FFFFFFF  }
0xca: {  	(tm) =	ssettm $0x7FFFFFFF  }
0xcb: {  	_ =	shalt  }
tec
execute0_lowered:
.L_overlay_start_1:
0x0: {  	(tag) =	ssettag $0x1  }
0x1: {  	s0 =	srdreg.scid;
	s1 =	rddreg [dreg:$0x2]  }
0x2: {  	s2 =	stileid.u32;
	s3 =	rddreg [dreg:$0x3];
	s4 =	simm.s32 $0x0  }
0x3: {  	s13 =	simm.s32 $0x1;
	s15 =	simm.s32 $0x8;
	s16 =	simm.s32 $0x4  }
0x4: {  	s17 =	simm.s32 $0x80;
	s18 =	simm.s32 $0x20;
	s19 =	simm.s32 $0x40  }
0x5: {  	s23 =	simm.s32 $0x9B30;
	s0 =	sand.u32 $0x1, s0;
	s2 =	sshll.u32 s2, $0x1  }
0x6: {  	s24 =	simm.s32 $0xA5E0;
	s25 =	simm.s32 $0xB090;
	s2 =	sor.u32 s0, s2  }
0x7: {  	s26 =	simm.s32 $0x0;
	s0 =	ssub.s32 $0x2, s0;
	s5 =	smul.u32 $0xAB0, s2  }
.Ltmp0:
0x8: {  	[smem:$0x7FF] =	sst s4;
	s31 =	sshrl.u32 s0, $0x1;
	(pc) =	sbr.rel .LBB2_1-.Ltmp0, $4  }
0x9: {  	_ =	strace $0x80000047;
	s0 =	ssub.s32 s0, s31;
	s6 =	sshrl.u32 s5, $0x3  }
0xa: {  	s5 =	smul.u32 $0xAB, s2;
	s12 =	smax.u32 s0, $0x1;
	s3 =	sadd.s32 s6, s3  }
0xb: {  	v0 =	vlaneseq.u32;
	s6 =	sadd.s32 s1, s6;
	s7 =	sadd.s32 $0xBC00, s3;
	s8 =	sadd.s32 $0x1000, s3  }
0xc: {  	vm0 =	vmxor vm0, vm0;
	vm1 =	vmmov $0xffff;
	v1 =	vimm.f32 $1.000000000e+00;
	s9 =	sadd.s32 $0x3AC0, s3;
	s10 =	sadd.s32 $0x6580, s3;
	s11 =	sadd.s32 $0x9040, s3  }
.LBB2_8:
0xd: {  	s0 =	simm.s32 $0x7A80  }
0xe: {  	[hbm4b:s6+s4] =	stream.linear.scatter [tilespmem:s0], [sflag:$0x1], $0xAB0, $0x38;
	[tilespmem:$0xBB80] =	vst v63  }
0xf: {  	_ =	swait.ge [sflag:s13], $0xAB0  }
0x10: {  	[sflag:s13] =	ssyncset.done $0x0  }
0x11: {  	s30 =	simm.s32 $0x8580;
	[sflag:s13] =	ssyncadd.s32 $0xFFFFF550  }
0x12: {  	[hbm4b:s7+s4] =	stream.linear.scatter [tilespmem:s30], [sflag:$0x1], $0xAB0, $0x38;
	[tilespmem:$0xBB80] =	vst v63  }
0x13: {  	_ =	swait.ge [sflag:s13], $0xAB0  }
0x14: {  	[sflag:s13] =	ssyncset.done $0x0  }
0x15: {  	s31 =	simm.s32 $0x9080;
	[sflag:s13] =	ssyncadd.s32 $0xFFFFF550  }
0x16: {  	[hbm4b:s8+s4] =	stream.linear.scatter [tilespmem:s31], [sflag:$0x1], $0xAB0, $0x38;
	[tilespmem:$0xBB80] =	vst v63  }
0x17: {  	_ =	swait.ge [sflag:s13], $0xAB0  }
0x18: {  	[sflag:s13] =	ssyncset.done $0x0  }
0x19: {  	[sflag:s13] =	ssyncadd.s32 $0xFFFFF550  }
0x1a: {  	[hbm4b:s9+s4] =	stream.linear.scatter [tilespmem:s23], [sflag:$0x1], $0xAB0, $0x38;
	[tilespmem:$0xBB80] =	vst v63  }
0x1b: {  	_ =	swait.ge [sflag:s13], $0xAB0  }
0x1c: {  	[sflag:s13] =	ssyncset.done $0x0  }
0x1d: {  	[sflag:s13] =	ssyncadd.s32 $0xFFFFF550  }
0x1e: {  	[hbm4b:s10+s4] =	stream.linear.scatter [tilespmem:s24], [sflag:$0x1], $0xAB0, $0x38;
	[tilespmem:$0xBB80] =	vst v63  }
0x1f: {  	s26 =	sadd.s32 $0x1, s26;
	_ =	swait.ge [sflag:s13], $0xAB0  }
0x20: {  	p0 =	sne.s32 s26, s12;
	[sflag:s13] =	ssyncset.done $0x0  }
.Ltmp1:
0x21: {  	[sflag:s13] =	ssyncadd.s32 $0xFFFFF550;
	(pc) =	sbr.rel @!p0 .LBB2_9-.Ltmp1, $4  }
0x22: {  	[hbm4b:s11+s4] =	stream.linear.scatter [tilespmem:s25], [sflag:$0x1], $0xAB0, $0x38;
	[tilespmem:$0xBB80] =	vst v63  }
0x23: {  	_ =	swait.ge [sflag:s13], $0xAB0  }
0x24: {  	[sflag:s13] =	ssyncset.done $0x0  }
0x25: {  	[sflag:s13] =	ssyncadd.s32 $0xFFFFF550  }
.LBB2_1:
0x26: {  	s0 =	rddreg [dreg:$0x0]  }
0x27: {  	[tilespmem:s4], [sflag:$0x1] =	stream.linear.gather [hbm4b:s0+s4], $0x800, $0x38;
	[tilespmem:$0xBB80] =	vst v63  }
0x28: {  	_ =	swait.ge [sflag:s13], $0x800  }
0x29: {  	[sflag:s13] =	ssyncset.done $0x0  }
0x2a: {  	[sflag:s13] =	ssyncadd.s32 $0xFFFFF800  }
.Ltmp2:
0x2b: {  	s1 =	simm.s32 $0x800;
	s31 =	rddreg [dreg:$0x1];
	(pc) =	sbr.rel .LBB2_2-.Ltmp2, $4  }
0x2c: {  	[tilespmem:s1], [sflag:$0x1] =	stream.linear.gather [hbm4b:s31+s4], $0x7280, $0x38;
	[tilespmem:$0xBB80] =	vst v63  }
0x2d: {  	_ =	swait.ge [sflag:s13], $0x7280  }
0x2e: {  	[sflag:s13] =	ssyncset.done $0x0  }
0x2f: {  	s28 =	simm.s32 $0x0;
	[sflag:s13] =	ssyncadd.s32 $0xFFFF8D80  }
.LBB2_3:
0x30: {  	v7 =	vimm.s32 $0x0  }
0x31: {  	v6 =	vimm.f32 $0.0e+00;
	v5 =	vimm.f32 $0.0e+00;
	v4 =	vimm.f32 $0.0e+00  }
0x32: {  	v3 =	vimm.f32 $0.0e+00;
	vm2 =	vmmov vm1;
	vm3 =	vmmov vm0  }
.LBB2_7:
0x33: {  	v8 =	vmax.f32 v6, v4;
	v9 =	vmax.f32 v5, v3  }
0x34: {  	v8 =	vmul.f32 v9, v8;
	_ =	sdelay $0x1  }
0x35: {  	v8 =	vadd.f32 $1.000000010e-10, v8;
	_ =	sdelay $0x1  }
0x36: {  	(erf) = vrcp.f32 v8;
	_ =	sdelay $0x6  }
0x37: {  	v52 =	vmin.f32 v6, v4;
	v53 =	vmin.f32 v5, v3  }
0x38: {  	v8 =	vmul.f32 v53, v52  }
0x39: {  	v54 =	vpop (erf)  }
0x3a: {  	v8 =	vmul.f32 v54, v8;
	_ =	sdelay $0x1  }
0x3b: {  	v8 =	vsel vm2, $0x3F800000, v8  }
0x3c: {  	v55 =	vmul.f32 $4.294967300e+09, v8;
	_ =	sdelay $0x1  }
0x3d: {  	vm4 =	vlt.f32 v55, $1.000000000e+00  }
0x3e: {  	v9 =	vsel vm4, v55, v8  }
0x3f: {  	v10 =	vmul.f32 $6.553600000e+04, v9;
	_ =	sdelay $0x1  }
0x40: {  	vm5 =	vlt.f32 v10, $1.000000000e+00  }
0x41: {  	v9 =	vsel vm5, v10, v9  }
0x42: {  	v10 =	vmul.f32 $2.560000000e+02, v9;
	_ =	sdelay $0x1  }
0x43: {  	vm6 =	vlt.f32 v10, $1.000000000e+00  }
0x44: {  	v9 =	vsel vm6, v10, v9  }
0x45: {  	v10 =	vmul.f32 $1.600000000e+01, v9;
	_ =	sdelay $0x1  }
0x46: {  	vm7 =	vlt.f32 v10, $1.000000000e+00  }
0x47: {  	v9 =	vsel vm7, v10, v9  }
0x48: {  	v10 =	vmul.f32 $4.000000000e+00, v9;
	_ =	sdelay $0x1  }
0x49: {  	vm8 =	vlt.f32 v10, $1.000000000e+00  }
0x4a: {  	v9 =	vsel vm8, v10, v9  }
0x4b: {  	v10 =	vadd.f32 $1.000000000e+00, v9;
	_ =	sdelay $0x1  }
0x4c: {  	v10 =	vmul.f32 $5.000000000e-01, v10;
	_ =	sdelay $0x1  }
0x4d: {  	(erf) = vrcp.f32 v10;
	_ =	sdelay $0x8  }
0x4e: {  	v11 =	vpop (erf)  }
0x4f: {  	v11 =	vmul.f32 v11, v9;
	_ =	sdelay $0x1  }
0x50: {  	v10 =	vadd.f32 v11, v10;
	_ =	sdelay $0x1  }
0x51: {  	v10 =	vmul.f32 $5.000000000e-01, v10;
	_ =	sdelay $0x1  }
0x52: {  	(erf) = vrcp.f32 v10;
	_ =	sdelay $0x8  }
0x53: {  	v56 =	vpop (erf)  }
0x54: {  	v11 =	vmul.f32 v56, v9;
	_ =	sdelay $0x1  }
0x55: {  	v10 =	vadd.f32 v11, v10;
	_ =	sdelay $0x1  }
0x56: {  	v10 =	vmul.f32 $5.000000000e-01, v10;
	_ =	sdelay $0x1  }
0x57: {  	(erf) = vrcp.f32 v10;
	_ =	sdelay $0x2  }
0x58: {  	v57 =	vsel vm4, $0x37800000, v1  }
0x59: {  	v12 =	vmul.f32 $3.906250000e-03, v57;
	_ =	sdelay $0x1  }
0x5a: {  	v11 =	vsel vm5, v12, v57  }
0x5b: {  	v12 =	vmul.f32 $6.250000000e-02, v11;
	_ =	sdelay $0x1  }
0x5c: {  	v11 =	vsel vm6, v12, v11;
	v58 =	vpop (erf)  }
0x5d: {  	v59 =	vmul.f32 $2.500000000e-01, v11;
	v9 =	vmul.f32 v58, v9;
	_ =	sdelay $0x1  }
0x5e: {  	v11 =	vsel vm7, v59, v11;
	v9 =	vadd.f32 v9, v10  }
0x5f: {  	v7 =	vsel vm2, $0x0, v7;
	v61 =	vmul.f32 v6, v2;
	v60 =	vmul.f32 $5.000000000e-01, v11  }
0x60: {  	s0 =	sshll.u32 s28, $0x4;
	v62 =	vmul.f32 v5, v2;
	s28 =	sadd.s32 $0x1, s28;
	v7 =	vsel vm3, $0xFFFFFFFF, v7;
	v9 =	vmul.f32 $5.000000000e-01, v9  }
0x61: {  	v63 =	vmul.f32 v4, v2;
	p0 =	sne.s32 s28, $0xAB;
	[tilespmem:s0+$0x7A80] =	vst v7;
	v6 =	vsel vm2, $0xBF800000, v61;
	v10 =	vsel vm8, v60, v11  }
.Ltmp3:
0x62: {  	v2 =	vmul.f32 v3, v2;
	v5 =	vsel vm2, $0xBF800000, v62;
	[tilespmem:s0+$0x9080] =	vst v6;
	v9 =	vmul.f32 v9, v10;
	(pc) =	sbr.rel @!p0 .LBB2_8-.Ltmp3, $4  }
0x63: {  	v3 =	vsel vm2, $0xBF800000, v63;
	[tilespmem:s0+$0x9B30] =	vst v5;
	vm14 =	vgt.f32 v8, $1.000000020e-35  }
0x64: {  	vm15 =	vmor vm3, vm2;
	v2 =	vsel vm2, $0xBF800000, v2;
	[tilespmem:s0+$0xA5E0] =	vst v3;
	v8 =	vnsel vm14, $0x0, v9  }
0x65: {  	[tilespmem:s0+$0xB090] =	vst v2;
	v8 =	vsel vm15, $0xBF800000, v8  }
0x66: {  	[tilespmem:s0+$0x8580] =	vst v8  }
.LBB2_2:
0x67: {  	s0 =	sadd.s32 s5, s28  }
0x68: {  	s1 =	simm.s32 $0x1;
	p0 =	sgt.u32 s0, $0x553  }
0x69: {  	s2 =	simm.s32 $0x1;
	s1 =	simm.s32 @!p0 $0x0;
	p0 =	sgt.u32 s0, $0xAA7  }
0x6a: {  	s3 =	simm.s32 $0x1;
	s2 =	simm.s32 @!p0 $0x0;
	p0 =	sgt.u32 s0, $0xFFB  }
0x6b: {  	s1 =	sadd.s32 s2, s1;
	s3 =	simm.s32 @!p0 $0x0  }
0x6c: {  	s29 =	sadd.s32 s3, s1  }
0x6d: {  	s1 =	smul.u32 $0xFFFFFAAC, s29;
	_ =	sdelay $0x1  }
0x6e: {  	s30 =	simm.s32 $0xFFFFFC0;
	s2 =	simm.s32 $0x1;
	s0 =	sadd.s32 s0, s1  }
0x6f: {  	s1 =	simm.s32 $0x1;
	p0 =	sgt.s32 s0, $0x3FF;
	p1 =	sgt.s32 s0, $0x4FF  }
0x70: {  	s31 =	simm.s32 $0x4;
	s1 =	simm.s32 @!p0 $0x0;
	s2 =	simm.s32 @!p1 $0x0  }
0x71: {  	p0 =	sgt.s32 s0, $0x53F;
	s1 =	sadd.s32 s2, s1;
	s2 =	simm.s32 $0x1  }
0x72: {  	s3 =	simm.s32 $0x1;
	s2 =	simm.s32 @!p0 $0x0;
	p0 =	sgt.s32 s0, $0x54F  }
0x73: {  	s14 =	simm.s32 $0x10;
	s1 =	sadd.s32 s2, s1;
	s3 =	simm.s32 @!p0 $0x0  }
0x74: {  	s20 =	simm.s32 $0x3;
	s2 =	simm.s32 $0xFFFFF00;
	s3 =	sadd.s32 s3, s1  }
0x75: {  	s1 =	simm.s32 $0x0;
	p0 =	seq.s32 s3, $0x0;
	p2 =	sgt.u32 s3, $0x1  }
0x76: {  	p3 =	sgt.u32 s3, $0x2;
	p4 =	sgt.u32 s3, $0x3;
	p1 =	seq.s32 s3, $0x4  }
0x77: {  	s2 =	simm.s32 @!p2 $0x0;
	s1 =	simm.s32 @!p0 $0xFFFFC00;
	s30 =	simm.s32 @!p3 $0x0  }
0x78: {  	s31 =	simm.s32 @!p4 $0x0;
	s14 =	simm.s32 @!p2 $0x0;
	s0 =	sadd.s32 s0, s2  }
0x79: {  	s20 =	simm.s32 @!p1 $0x2;
	s2 =	simm.s32 $0xFFFFFF0;
	s0 =	sadd.s32 s1, s0  }
0x7a: {  	s2 =	simm.s32 @!p4 $0x0;
	s0 =	sadd.s32 s30, s0;
	s30 =	simm.s32 $0x8  }
0x7b: {  	s0 =	sadd.s32 s2, s0;
	s2 =	simm.s32 $0x0;
	s30 =	simm.s32 @!p3 $0x0  }
0x7c: {  	s1 =	sshll.u32 s0, $0x4;
	s0 =	sxor.u32 $0x7, s3;
	s30 =	sor.u32 s30, s31  }
0x7d: {  	s2 =	simm.s32 @!p0 $0x20;
	s31 =	sshrl.u32 s1, s0;
	s14 =	sor.u32 s14, s30  }
0x7e: {  	s20 =	sshrl.u32 s31, s20;
	s2 =	sor.u32 s2, s14  }
0x7f: {  	s22 =	smul.u32 $0x1C98, s29;
	s2 =	sadd.s32 s20, s2  }
0x80: {  	s2 =	smul.u32 $0x78, s2;
	_ =	sdelay $0x1  }
0x81: {  	s31 =	sadd.s32 s22, s2  }
0x82: {  	p2 =	slt.s32 s31, $0x71E8  }
0x83: {  	s31 =	simm.s32 @!p2 $0x71E8  }
0x84: {  	v2 =	vld [tilespmem:s31+$0x800];
	_ =	sdelay $0x4  }
0x85: {  	(v2sf) =	vpush v2, $0x0;
	_ =	sdelay $0x7  }
0x86: {  	s2 =	sshll.u32 s15, s3  }
0x87: {  	v2 =	vmov s2  }
0x88: {  	v3 =	vcvt.s32.f32 v2;
	_ =	sdelay $0x1  }
0x89: {  	(erf) = vrcp.f32 v3;
	_ =	sdelay $0x2  }
0x8a: {  	s30 =	spop (v2sf)  }
0x8b: {  	p2 =	slt.s32 s30, $0x1  }
.Ltmp4:
0x8c: {  	_ = 	snop;
	(pc) =	sbr.rel @p2 .LBB2_3-.Ltmp4, $2  }
0x8d: {  	_ =	sdelay $0x2  }
0x8e: {  	v2 =	vpop (erf)  }
0x8f: {  	s31 =	sadd.s32 $0x808, s31  }
0x90: {  	v4 =	vld [tilespmem:s31+$0x0];
	_ =	sdelay $0x4  }
0x91: {  	v4 =	vshll.u32 v4, $0x3  }
0x92: {  	(v2sf) =	vpush v4, $0x0;
	_ =	sdelay $0x1  }
0x93: {  	(v2sf) =	vpush v4, $0x1;
	_ =	sdelay $0x2  }
0x94: {  	(v2sf) =	vpush v4, $0x2;
	_ =	sdelay $0x2  }
0x95: {  	(v2sf) =	vpush v4, $0x3;
	_ =	sdelay $0x5  }
0x96: {  	s14 =	sshll.u32 s16, s3;
	s20 =	sshrl.u32 s17, s3  }
0x97: {  	s21 =	sshll.u32 s18, s3;
	s29 =	sshll.u32 s29, $0x9;
	s22 =	spop (v2sf)  }
0x98: {  	s20 =	sadd.s32 $0xFFFFFFFF, s20;
	s21 =	simm.s32 @p0 $0xFFFFFFFF;
	v4 =	vor.u32 s1, v0;
	s1 =	sadd.s32 s29, s22  }
0x99: {  	v5 =	vand.u32 s20, v4;
	v4 =	vshrl.u32 v4, s0;
	s20 =	spop (v2sf);
	s22 =	sand.u32 $0x78, s22;
	s1 =	sand.u32 $0xFFFFFF80, s1  }
0x9a: {  	v6 =	vmov s21;
	s0 =	sshll.u32 s19, s3;
	v5 =	vmul.u32 s2, v5;
	v4 =	vmul.u32 s2, v4;
	s1 =	sor.u32 s22, s1;
	s22 =	sadd.s32 s29, s20  }
0x9b: {  	v8 =	vcvt.s32.f32 v6;
	s0 =	simm.s32 @p1 $0xF423F;
	s3 =	sand.u32 $0xFFFFFF80, s22;
	s22 =	sand.u32 $0x78, s20;
	v19 =	vld [tilespmem:s1+$0x0]  }
0x9c: {  	v7 =	vmov s0;
	v5 =	vadd.s32 s14, v5;
	v4 =	vadd.s32 s14, v4;
	s14 =	spop (v2sf);
	s3 =	sor.u32 s22, s3  }
0x9d: {  	v9 =	vcvt.s32.f32 v7;
	s20 =	sadd.s32 s29, s14;
	v12 =	vld [tilespmem:s3+$0x0]  }
0x9e: {  	v8 =	vbroadcast v8, $0x0;
	v6 =	vcvt.s32.f32 v5;
	s1 =	sand.u32 $0x78, s14;
	s0 =	sand.u32 $0xFFFFFF80, s20  }
0x9f: {  	v10 =	vimm.f32 $0.0e+00;
	v7 =	vcvt.s32.f32 v4;
	v9 =	vbroadcast v9, $0x0;
	s21 =	spop (v2sf);
	s0 =	sor.u32 s1, s0  }
0xa0: {  	v4 =	vadd.f32 v3, v3;
	s22 =	sadd.s32 s29, s21;
	v22 =	vld [tilespmem:s0+$0x0];
	v13 =	vbroadcast v19, $0x0;
	v18 =	vbroadcast v19, $0x1  }
0xa1: {  	v5 =	vimm.f32 $1.000000000e+08;
	s1 =	sand.u32 $0xFFFFFF80, s22;
	s0 =	sand.u32 $0x78, s21;
	v15 =	vbroadcast v19, $0x2;
	v17 =	vbroadcast v19, $0x3  }
0xa2: {  	s0 =	sor.u32 s0, s1;
	v14 =	vsub.f32 v6, v13;
	v20 =	vbroadcast v12, $0x0;
	v11 =	vbroadcast v12, $0x4  }
0xa3: {  	v26 =	vld [tilespmem:s0+$0x0];
	v13 =	vadd.f32 v15, v13;
	v24 =	vbroadcast v12, $0x1;
	v23 =	vbroadcast v12, $0x2  }
0xa4: {  	v16 =	vsub.f32 v15, v6;
	v15 =	vsub.f32 v17, v7;
	v27 =	vbroadcast v12, $0x3  }
0xa5: {  	v28 =	vadd.f32 v17, v18;
	v29 =	vbroadcast v22, $0x2;
	v32 =	vbroadcast v22, $0x3  }
0xa6: {  	v36 =	vbroadcast v22, $0x0;
	v12 =	vmul.f32 $5.000000000e-01, v13;
	v13 =	vsub.f32 v7, v24  }
0xa7: {  	v21 =	vadd.f32 v23, v20;
	v25 =	vmax.f32 v16, v15;
	v17 =	vsub.f32 v6, v20  }
0xa8: {  	v28 =	vmul.f32 $5.000000000e-01, v28;
	v31 =	vadd.f32 v16, v14;
	v39 =	vbroadcast v26, $0x2  }
0xa9: {  	v24 =	vadd.f32 v27, v24;
	v47 =	vbroadcast v26, $0x1;
	v43 =	vbroadcast v26, $0x3  }
0xaa: {  	v50 =	vbroadcast v26, $0x0;
	v30 =	vsub.f32 v6, v12;
	v12 =	vsub.f32 v29, v6  }
0xab: {  	v20 =	vmul.f32 $5.000000000e-01, v21;
	v21 =	vsub.f32 v7, v18;
	v28 =	vsub.f32 v7, v28  }
0xac: {  	v41 =	vmax.f32 v17, v13;
	v24 =	vmul.f32 $5.000000000e-01, v24;
	v44 =	vmin.f32 v17, v13  }
0xad: {  	v29 =	vadd.f32 v29, v36;
	v58 =	vadd.f32 v43, v47;
	v30 =	vand.u32 $0x7FFFFFFF, v30  }
0xae: {  	v18 =	vsub.f32 v6, v20;
	v20 =	vmin.f32 v16, v15;
	v33 =	vmax.f32 v14, v21  }
0xaf: {  	v35 =	vadd.f32 v15, v21;
	v29 =	vmul.f32 $5.000000000e-01, v29;
	v37 =	vmax.f32 v33, v25  }
0xb0: {  	v25 =	vand.u32 $0x7FFFFFFF, v28;
	v34 =	vand.u32 $0x7FFFFFFF, v18;
	v18 =	vsub.f32 v23, v6  }
0xb1: {  	v33 =	vmax.f32 v30, v25;
	v28 =	vsub.f32 v37, v8;
	v30 =	vmin.f32 v14, v21  }
0xb2: {  	v23 =	vsub.f32 v27, v7;
	v25 =	vsub.f32 v6, v36;
	v27 =	vbroadcast v22, $0x1  }
0xb3: {  	v35 =	vmul.f32 v35, v31;
	v29 =	vsub.f32 v6, v29;
	v36 =	vmul.f32 $5.000000000e-01, v58  }
0xb4: {  	v40 =	vsub.f32 v3, v33;
	v20 =	vmin.f32 v30, v20;
	v38 =	vadd.f32 v18, v17  }
0xb5: {  	v42 =	vmax.f32 v18, v23;
	v31 =	vadd.f32 v32, v27;
	v53 =	vsub.f32 v7, v36  }
0xb6: {  	v36 =	vsub.f32 v7, v47;
	v47 =	vadd.f32 v12, v25;
	v30 =	vmax.f32 v41, v42  }
0xb7: {  	v42 =	vsub.f32 v9, v37;
	v37 =	vbroadcast v19, $0x4;
	v19 =	vsub.f32 v7, v24  }
0xb8: {  	v59 =	vmin.f32 v18, v23;
	v24 =	vsub.f32 v39, v6;
	v39 =	vadd.f32 v39, v50  }
0xb9: {  	v29 =	vand.u32 $0x7FFFFFFF, v29;
	v41 =	vsub.f32 v9, v30;
	v45 =	vsub.f32 v30, v8  }
0xba: {  	v30 =	vsub.f32 v32, v7;
	v31 =	vmul.f32 $5.000000000e-01, v31;
	v32 =	vsub.f32 v43, v7  }
0xbb: {  	v43 =	vmin.f32 v20, v28;
	v20 =	vand.u32 $0x7FFFFFFF, v53;
	v19 =	vand.u32 $0x7FFFFFFF, v19  }
0xbc: {  	vm2 =	vge.f32 v42, $0.0e+00;
	v60 =	vmul.f32 $5.000000000e-01, v39;
	v39 =	vsub.f32 v6, v50  }
0xbd: {  	v19 =	vmax.f32 v34, v19;
	v51 =	vmax.f32 v12, v30;
	v52 =	vmin.f32 v12, v30  }
0xbe: {  	v34 =	vsub.f32 v7, v27;
	v27 =	vmin.f32 v44, v59;
	v31 =	vsub.f32 v7, v31  }
0xbf: {  	v56 =	vmax.f32 v24, v32;
	v57 =	vmin.f32 v24, v32;
	v46 =	vsub.f32 v19, v3  }
0xc0: {  	v48 =	vsub.f32 v3, v19;
	v44 =	vmin.f32 v27, v45;
	v19 =	vsub.f32 v4, v19  }
0xc1: {  	v62 =	vmin.f32 v39, v36;
	v54 =	vmax.f32 v39, v36;
	v45 =	vadd.f32 v30, v34  }
0xc2: {  	v27 =	vmin.f32 v25, v34;
	v28 =	vand.u32 $0x7FFFFFFF, v31;
	v31 =	vsub.f32 v6, v60  }
0xc3: {  	v63 =	vmax.f32 v54, v56;
	v48 =	vmin.f32 v44, v48;
	v49 =	vmin.f32 v41, v19  }
0xc4: {  	v19 =	vmax.f32 v25, v34;
	v27 =	vmin.f32 v27, v52;
	v28 =	vmax.f32 v29, v28  }
0xc5: {  	v52 =	vsub.f32 v4, v33;
	v19 =	vmax.f32 v19, v51;
	v61 =	vsub.f32 v4, v28  }
0xc6: {  	v55 =	vsub.f32 v28, v3;
	v31 =	vand.u32 $0x7FFFFFFF, v31;
	v29 =	vsub.f32 v9, v19  }
0xc7: {  	v28 =	vsub.f32 v3, v28;
	v51 =	vmax.f32 v31, v20;
	v19 =	vsub.f32 v19, v8  }
0xc8: {  	v20 =	vmin.f32 v62, v57;
	v53 =	vsub.f32 v3, v51;
	v50 =	vmin.f32 v29, v61  }
0xc9: {  	p0 =	sne.s32 s30, $0x1;
	v19 =	vmin.f32 v27, v19;
	v27 =	vsub.f32 v63, v8;
	vm4 =	vge.f32 v29, $0.0e+00  }
.Ltmp5:
0xca: {  	v29 =	vimm.f32 $0.0e+00;
	v31 =	vmin.f32 v50, v55;
	v28 =	vmin.f32 v19, v28;
	(pc) =	sbr.rel @!p0 .LBB2_6-.Ltmp5, $4  }
0xcb: {  	vm5 =	vgt.f32 v19, $0.0e+00;
	v50 =	vsub.f32 v9, v63;
	v19 =	vimm.f32 $0.0e+00  }
0xcc: {  	vm3 =	vgt.f32 v28, $0.0e+00;
	v54 =	vmin.f32 v20, v27;
	vm6 =	vge.f32 v31, $0.0e+00  }
0xcd: {  	v31 =	vimm.f32 $0.0e+00;
	v27 =	vimm.f32 $0.0e+00;
	v28 =	vimm.f32 $0.0e+00  }
0xce: {  	s30 =	sadd.s32 $0xFFFFFFFF, s30;
	s31 =	sadd.s32 $0x8, s31;
	v20 =	vimm.f32 $0.0e+00;
	vm3 =	vmand vm3, vm4;
	vm4 =	vgt.f32 v54, $0.0e+00  }
.LBB2_5:
0xcf: {  	v55 =	vld [tilespmem:s31+$0x0];
	p0 =	sne.s32 s30, $0x1;
	s30 =	sadd.s32 $0xFFFFFFFF, s30;
	v53 =	vmin.f32 v54, v53;
	v54 =	vadd.f32 v24, v39;
	v56 =	vadd.f32 v32, v36  }
0xd0: {  	v42 =	vmin.f32 v42, v52;
	vm7 =	vgt.f32 v48, $0.0e+00;
	v46 =	vmin.f32 v49, v46  }
0xd1: {  	vm10 =	vge.f32 v46, $0.0e+00;
	vm8 =	vgt.f32 v53, $0.0e+00;
	v46 =	vsub.f32 v4, v51  }
0xd2: {  	v40 =	vmin.f32 v43, v40;
	v48 =	vadd.f32 v23, v13;
	v49 =	vsub.f32 v51, v3  }
0xd3: {  	vm9 =	vge.f32 v41, $0.0e+00;
	v22 =	vbroadcast v22, $0x4;
	v41 =	vmin.f32 v50, v46  }
0xd4: {  	vm6 =	vmand vm5, vm6;
	v38 =	vmul.f32 v48, v38;
	v46 =	vshll.u32 v55, $0x3  }
0xd5: {  	vm11 =	vgt.f32 v44, $0.0e+00;
	v44 =	vmul.f32 v45, v47;
	(v2sf) =	vpush v46, $0x0  }
0xd6: {  	v33 =	vsub.f32 v33, v3;
	v41 =	vmin.f32 v41, v49;
	(v2sf) =	vpush v46, $0x1  }
0xd7: {  	vm5 =	vgt.f32 v40, $0.0e+00;
	v40 =	vnsel vm3, $0x4CBEBC20, v44;
	vm12 =	vge.f32 v41, $0.0e+00  }
0xd8: {  	v26 =	vbroadcast v26, $0x4;
	vm5 =	vmand vm5, vm2;
	vm2 =	vmand vm4, vm12  }
0xd9: {  	v33 =	vmin.f32 v42, v33;
	vm4 =	vmand vm11, vm10;
	(v2sf) =	vpush v46, $0x2  }
0xda: {  	vm10 =	vgt.f32 v43, $0.0e+00;
	vm11 =	vge.f32 v33, $0.0e+00;
	v33 =	vnsel vm5, $0x4CBEBC20, v35  }
0xdb: {  	v35 =	vmul.f32 v56, v54;
	vm12 =	vlt.f32 v33, v5;
	vm2 =	vmor vm2, vm6  }
0xdc: {  	vm6 =	vge.f32 v50, $0.0e+00;
	v10 =	vsel vm12, v37, v10;
	vm2 =	vmor vm2, vm4  }
0xdd: {  	vm7 =	vmand vm7, vm9;
	vm4 =	vmand vm10, vm11;
	vm6 =	vmand vm8, vm6  }
0xde: {  	v14 =	vsel vm12, v14, v31;
	v31 =	vnsel vm7, $0x4CBEBC20, v38;
	vm3 =	vmor vm6, vm3  }
0xdf: {  	v5 =	vsel vm12, v33, v5;
	vm3 =	vmor vm3, vm7;
	(v2sf) =	vpush v46, $0x3  }
0xe0: {  	v21 =	vsel vm12, v21, v27;
	v16 =	vsel vm12, v16, v29;
	vm7 =	vlt.f32 v31, v5  }
0xe1: {  	v15 =	vsel vm12, v15, v28;
	v5 =	vsel vm7, v31, v5;
	v10 =	vsel vm7, v11, v10  }
0xe2: {  	v11 =	vsel vm7, v17, v14;
	v13 =	vsel vm7, v13, v21;
	vm8 =	vlt.f32 v40, v5  }
0xe3: {  	v14 =	vnsel vm6, $0x4CBEBC20, v35;
	v5 =	vsel vm8, v40, v5;
	v11 =	vsel vm8, v25, v11  }
0xe4: {  	v15 =	vsel vm7, v23, v15;
	vm3 =	vmor vm3, vm5;
	v13 =	vsel vm8, v34, v13;
	s0 =	spop (v2sf)  }
0xe5: {  	v15 =	vsel vm8, v30, v15;
	v10 =	vsel vm8, v22, v10;
	vm5 =	vlt.f32 v14, v5;
	s1 =	sadd.s32 s29, s0;
	s2 =	spop (v2sf)  }
0xe6: {  	v16 =	vsel vm7, v18, v16;
	v5 =	vsel vm5, v14, v5;
	v10 =	vsel vm5, v26, v10;
	s0 =	sand.u32 $0x78, s0;
	s1 =	sand.u32 $0xFFFFFF80, s1;
	s3 =	sadd.s32 s29, s2  }
0xe7: {  	v12 =	vsel vm8, v12, v16;
	v31 =	vsel vm5, v39, v11;
	v27 =	vsel vm5, v36, v13;
	s2 =	sand.u32 $0x78, s2;
	s0 =	sor.u32 s0, s1;
	s1 =	sand.u32 $0xFFFFFF80, s3  }
0xe8: {  	vm2 =	vmor vm2, vm4;
	v29 =	vsel vm5, v24, v12;
	v28 =	vsel vm5, v32, v15;
	v30 =	vld [tilespmem:s0+$0x0];
	s0 =	sor.u32 s2, s1;
	s1 =	spop (v2sf)  }
0xe9: {  	v20 =	vsel vm2, $0x3F800000, v20;
	v19 =	vsel vm3, $0x3F800000, v19;
	s2 =	sadd.s32 s29, s1  }
0xea: {  	s1 =	sand.u32 $0x78, s1;
	v12 =	vld [tilespmem:s0+$0x0];
	s0 =	sand.u32 $0xFFFFFF80, s2  }
0xeb: {  	s0 =	sor.u32 s1, s0  }
0xec: {  	v22 =	vld [tilespmem:s0+$0x0]  }
0xed: {  	v13 =	vbroadcast v30, $0x0;
	v18 =	vbroadcast v30, $0x1  }
0xee: {  	v15 =	vbroadcast v30, $0x2;
	v17 =	vbroadcast v30, $0x3;
	s0 =	spop (v2sf)  }
0xef: {  	v14 =	vsub.f32 v6, v13;
	v21 =	vbroadcast v12, $0x0;
	v11 =	vbroadcast v12, $0x4;
	s1 =	sadd.s32 s29, s0  }
0xf0: {  	v13 =	vadd.f32 v15, v13;
	v24 =	vbroadcast v12, $0x1;
	v23 =	vbroadcast v12, $0x2;
	s0 =	sand.u32 $0x78, s0;
	s1 =	sand.u32 $0xFFFFFF80, s1  }
0xf1: {  	v16 =	vsub.f32 v15, v6;
	v15 =	vsub.f32 v17, v7;
	v32 =	vbroadcast v12, $0x3;
	s0 =	sor.u32 s0, s1  }
0xf2: {  	v12 =	vmul.f32 $5.000000000e-01, v13;
	v13 =	vsub.f32 v7, v24;
	v25 =	vadd.f32 v23, v21  }
0xf3: {  	v34 =	vadd.f32 v17, v18;
	v33 =	vmax.f32 v16, v15;
	v36 =	vbroadcast v22, $0x2  }
0xf4: {  	v17 =	vsub.f32 v6, v21;
	v35 =	vsub.f32 v6, v12;
	v25 =	vmul.f32 $5.000000000e-01, v25;
	v26 =	vld [tilespmem:s0+$0x0]  }
0xf5: {  	v34 =	vmul.f32 $5.000000000e-01, v34;
	v37 =	vadd.f32 v16, v14;
	v12 =	vsub.f32 v36, v6  }
0xf6: {  	v21 =	vsub.f32 v7, v18;
	v35 =	vand.u32 $0x7FFFFFFF, v35;
	v18 =	vsub.f32 v6, v25  }
0xf7: {  	v39 =	vmin.f32 v16, v15;
	v25 =	vsub.f32 v7, v34;
	v34 =	vbroadcast v22, $0x3  }
0xf8: {  	v44 =	vbroadcast v22, $0x0;
	v38 =	vmax.f32 v14, v21;
	v43 =	vand.u32 $0x7FFFFFFF, v18  }
0xf9: {  	v41 =	vmax.f32 v38, v33;
	v25 =	vand.u32 $0x7FFFFFFF, v25;
	v18 =	vsub.f32 v23, v6  }
0xfa: {  	v47 =	vsub.f32 v41, v8;
	v33 =	vmax.f32 v35, v25;
	v45 =	vbroadcast v26, $0x2  }
0xfb: {  	v35 =	vmin.f32 v14, v21;
	v40 =	vsub.f32 v3, v33;
	v38 =	vadd.f32 v18, v17  }
0xfc: {  	v42 =	vadd.f32 v15, v21;
	v23 =	vsub.f32 v32, v7;
	v50 =	vbroadcast v26, $0x1  }
0xfd: {  	v46 =	vmax.f32 v17, v13;
	v25 =	vsub.f32 v6, v44;
	v51 =	vbroadcast v26, $0x3  }
0xfe: {  	v24 =	vadd.f32 v32, v24;
	v32 =	vbroadcast v22, $0x1;
	v48 =	vmax.f32 v18, v23  }
0xff: {  	v39 =	vmin.f32 v35, v39;
	v35 =	vmul.f32 v42, v37;
	v46 =	vmax.f32 v46, v48  }
0x100: {  	v24 =	vmul.f32 $5.000000000e-01, v24;
	v42 =	vsub.f32 v9, v41;
	v48 =	vadd.f32 v34, v32  }
0x101: {  	v49 =	vmin.f32 v17, v13;
	v36 =	vadd.f32 v36, v44;
	v41 =	vsub.f32 v9, v46  }
0x102: {  	v37 =	vbroadcast v30, $0x4;
	v30 =	vsub.f32 v7, v24;
	v44 =	vadd.f32 v51, v50  }
0x103: {  	v36 =	vmul.f32 $5.000000000e-01, v36;
	v52 =	vsub.f32 v46, v8;
	v24 =	vsub.f32 v45, v6  }
0x104: {  	v46 =	vand.u32 $0x7FFFFFFF, v30;
	v30 =	vsub.f32 v34, v7;
	v48 =	vmul.f32 $5.000000000e-01, v48  }
0x105: {  	v36 =	vsub.f32 v6, v36;
	v53 =	vbroadcast v26, $0x0;
	v43 =	vmax.f32 v43, v46  }
0x106: {  	v54 =	vmin.f32 v18, v23;
	v55 =	vmax.f32 v12, v30;
	v56 =	vmul.f32 $5.000000000e-01, v44  }
0x107: {  	v58 =	vadd.f32 v45, v53;
	v46 =	vsub.f32 v43, v3;
	v57 =	vmin.f32 v12, v30  }
0x108: {  	vm2 =	vge.f32 v42, $0.0e+00;
	v34 =	vsub.f32 v7, v32;
	v59 =	vsub.f32 v3, v43  }
0x109: {  	v32 =	vmin.f32 v49, v54;
	v54 =	vand.u32 $0x7FFFFFFF, v36;
	v60 =	vsub.f32 v7, v48  }
0x10a: {  	v44 =	vmin.f32 v32, v52;
	v32 =	vsub.f32 v4, v43;
	v45 =	vadd.f32 v30, v34  }
0x10b: {  	v36 =	vmin.f32 v25, v34;
	v48 =	vmin.f32 v44, v59;
	v52 =	vsub.f32 v7, v56  }
0x10c: {  	v43 =	vmax.f32 v25, v34;
	v49 =	vmin.f32 v41, v32;
	v32 =	vsub.f32 v51, v7  }
0x10d: {  	v55 =	vmax.f32 v43, v55;
	v56 =	vmin.f32 v36, v57;
	v51 =	vmul.f32 $5.000000000e-01, v58  }
0x10e: {  	v43 =	vmin.f32 v39, v47;
	v36 =	vsub.f32 v7, v50;
	v50 =	vand.u32 $0x7FFFFFFF, v52  }
0x10f: {  	v47 =	vadd.f32 v12, v25;
	v39 =	vsub.f32 v6, v53;
	v52 =	vand.u32 $0x7FFFFFFF, v60  }
0x110: {  	v51 =	vsub.f32 v6, v51;
	v53 =	vmax.f32 v54, v52;
	v54 =	vsub.f32 v9, v55  }
0x111: {  	v57 =	vmin.f32 v39, v36;
	v58 =	vmax.f32 v39, v36;
	v52 =	vsub.f32 v4, v53  }
0x112: {  	v60 =	vmax.f32 v24, v32;
	v59 =	vsub.f32 v53, v3;
	v51 =	vand.u32 $0x7FFFFFFF, v51  }
0x113: {  	v62 =	vmin.f32 v24, v32;
	v51 =	vmax.f32 v51, v50;
	v61 =	vmin.f32 v54, v52  }
0x114: {  	v50 =	vsub.f32 v55, v8;
	v55 =	vmin.f32 v57, v62;
	v52 =	vsub.f32 v4, v33  }
.Ltmp6:
0x115: {  	v58 =	vmax.f32 v58, v60;
	v57 =	vsub.f32 v3, v53;
	v59 =	vmin.f32 v61, v59;
	(pc) =	sbr.rel @p0 .LBB2_5-.Ltmp6, $4  }
0x116: {  	v53 =	vsub.f32 v3, v51;
	v50 =	vmin.f32 v56, v50;
	v56 =	vsub.f32 v58, v8  }
0x117: {  	v57 =	vmin.f32 v50, v57;
	vm5 =	vgt.f32 v50, $0.0e+00;
	v50 =	vsub.f32 v9, v58  }
0x118: {  	vm4 =	vge.f32 v54, $0.0e+00;
	vm3 =	vgt.f32 v57, $0.0e+00;
	v54 =	vmin.f32 v55, v56  }
0x119: {  	s31 =	sadd.s32 $0x8, s31;
	vm6 =	vge.f32 v59, $0.0e+00;
	vm3 =	vmand vm3, vm4;
	vm4 =	vgt.f32 v54, $0.0e+00  }
.LBB2_6:
0x11a: {  	v6 =	vmin.f32 v54, v53  }
0x11b: {  	v7 =	vadd.f32 v24, v39;
	v8 =	vadd.f32 v32, v36;
	v9 =	vmin.f32 v49, v46  }
0x11c: {  	v42 =	vmin.f32 v42, v52;
	vm7 =	vgt.f32 v48, $0.0e+00;
	v4 =	vsub.f32 v4, v51  }
0x11d: {  	v54 =	vmin.f32 v43, v40;
	v55 =	vsub.f32 v51, v3;
	vm10 =	vge.f32 v41, $0.0e+00  }
0x11e: {  	v22 =	vbroadcast v22, $0x4;
	vm5 =	vmand vm5, vm6;
	vm6 =	vgt.f32 v44, $0.0e+00  }
0x11f: {  	v56 =	vmul.f32 v45, v47;
	v3 =	vsub.f32 v33, v3;
	vm13 =	vge.f32 v50, $0.0e+00  }
0x120: {  	vm8 =	vge.f32 v9, $0.0e+00;
	vm9 =	vgt.f32 v6, $0.0e+00;
	v6 =	vadd.f32 v23, v13  }
0x121: {  	vm11 =	vgt.f32 v54, $0.0e+00;
	vm7 =	vmand vm7, vm10;
	v4 =	vmin.f32 v50, v4  }
0x122: {  	v57 =	vnsel vm3, $0x4CBEBC20, v56;
	vm2 =	vmand vm11, vm2;
	v3 =	vmin.f32 v42, v3  }
0x123: {  	vm6 =	vmand vm6, vm8;
	vm8 =	vgt.f32 v43, $0.0e+00;
	vm13 =	vmand vm9, vm13  }
0x124: {  	v6 =	vmul.f32 v6, v38;
	v4 =	vmin.f32 v4, v55;
	v58 =	vnsel vm2, $0x4CBEBC20, v35  }
0x125: {  	vm11 =	vge.f32 v3, $0.0e+00;
	v3 =	vmul.f32 v8, v7;
	vm3 =	vmor vm13, vm3  }
0x126: {  	vm12 =	vge.f32 v4, $0.0e+00;
	v4 =	vbroadcast v26, $0x4;
	vm3 =	vmor vm3, vm7  }
0x127: {  	vm4 =	vmand vm4, vm12;
	vm12 =	vlt.f32 v58, v5;
	v6 =	vnsel vm7, $0x4CBEBC20, v6  }
0x128: {  	v3 =	vnsel vm13, $0x4CBEBC20, v3;
	vm2 =	vmor vm3, vm2;
	vm4 =	vmor vm4, vm5  }
0x129: {  	v7 =	vsel vm12, v37, v10;
	vm5 =	vmand vm8, vm11;
	v8 =	vsel vm12, v14, v31  }
0x12a: {  	v5 =	vsel vm12, v58, v5;
	v59 =	vsel vm12, v21, v27;
	v60 =	vsel vm12, v16, v29  }
0x12b: {  	v15 =	vsel vm12, v15, v28;
	vm4 =	vmor vm4, vm6;
	vm14 =	vlt.f32 v6, v5  }
0x12c: {  	v5 =	vsel vm14, v6, v5;
	v6 =	vsel vm14, v11, v7;
	v7 =	vsel vm14, v17, v8  }
0x12d: {  	v8 =	vsel vm14, v13, v59;
	v61 =	vsel vm14, v23, v15;
	vm15 =	vlt.f32 v57, v5  }
0x12e: {  	v5 =	vsel vm15, v57, v5;
	v7 =	vsel vm15, v25, v7;
	v8 =	vsel vm15, v34, v8  }
0x12f: {  	v6 =	vsel vm15, v22, v6;
	vm3 =	vlt.f32 v3, v5;
	v3 =	vsel vm14, v18, v60  }
.Ltmp7:
0x130: {  	v9 =	vsel vm15, v30, v61;
	v62 =	vsel vm3, v4, v6;
	v3 =	vsel vm15, v12, v3;
	(pc) =	sbr.rel .LBB2_7-.Ltmp7, $4  }
0x131: {  	v6 =	vsel vm3, v39, v7;
	v5 =	vsel vm3, v36, v8;
	v7 =	vsel vm2, $0x3F800000, v19  }
0x132: {  	v4 =	vsel vm3, v24, v3;
	v3 =	vsel vm3, v32, v9;
	vm3 =	vmor vm4, vm5  }
0x133: {  	v63 =	vtrunc.f32 v62;
	vm2 =	vgt.f32 v7, $5.000000000e-01;
	v8 =	vsel vm3, $0x3F800000, v20  }
0x134: {  	v7 =	vcvt.f32.s32 v63;
	vm2 =	vmneg vm2;
	vm3 =	vgt.f32 v8, $5.000000000e-01  }
.LBB2_9:
0x135: {  	_ =	sfence.sel $0x180000  }
0x136: {  	[bflag:$0x0] =	sbarrier.arrive $0xFFFF  }
0x137: {  	_ =	strace $0x90000047  }
0x138: {  	s0 =	stileid.u32;
	[bflag:$0x2] =	sbarrier.arrive $0xFFFF  }
0x139: {  	p0 =	sne.s32 s0, $0x0;
	s0 =	rddreg [dreg:$0x4]  }
0x13a: {  	s0 =	sadd.s32 @!p0 $0x100000, s0  }
0x13b: {  	[sflag:s0] =	ssyncadd.tile.s32 @!p0 $0x1;
	_ =	shalt  }
.Lfunc_end2:
_tile_overlayer_lowered:
.L_overlay_start_2:
0x13c: {  	(tag) =	ssettag $0x2  }
0x13d: {  	s0 =	rddreg [dreg:$0x0];
	s2 =	stileid.u32  }
0x13e: {  	s1 =	rddreg [dreg:$0x1];
	p0 =	sne.s32 s2, $0x0  }
0x13f: {  	s3 =	rddreg [dreg:$0x2];
	[bflag:$0x3] =	sbarrier.arrive $0xFFFF;
	s2 =	simm.s32 @!p0 $0x1C01  }
0x140: {  	[timem:s3], [sflag:s2] =	dma.local @!p0 [hbm:s0], s1  }
0x141: {  	s0 =	simm.s32 @!p0 $0x1  }
0x142: {  	_ =	swait.ge @!p0 [sflag:s0], s1  }
0x143: {  	s1 =	ssub.s32 @!p0 $0x0, s1;
	[sflag:s0] =	ssyncset.done @!p0 $0x0  }
0x144: {  	[sflag:s0] =	ssyncadd.s32 @!p0 s1  }
0x145: {  	[bflag:$0x3] =	sbarrier.arrive $0xFFFF  }
0x146: {  	_ =	shalt  }

</sc_bundles>
